<compile_context>
chip_gen: v7x
topology: tpu7x:2x2x1
jax: 0.10.2.dev20260603
libtpu: 0.0.44.dev20260713+nightly
codegen_flags: <defaults>
</compile_context>

<pallas_src>
import jax
import jax.numpy as jnp
import numpy as np
from jax import lax
from jax.experimental import pallas as pl
from jax.experimental.pallas import tpu as pltpu
from jax.experimental.pallas import tpu_sc as plsc

V_PI = 4.36
V_MAX = 10.8
GAMMA = np.pi / (V_PI ** 2)
TWO_PI = 2.0 * np.pi
NLEV = 255.0
B, N = 128, 256

KSCALE = np.float32(NLEV / (V_MAX * np.sqrt(GAMMA)))
PH2 = np.float32(GAMMA * (V_MAX / NLEV) ** 2)
KMAX = np.float32(145.5)
MAGIC = np.int32(0x5F3759DF)

NW = 32
MATS_PER = B // NW
RCHUNK = 32
CHUNKS_PER_MAT = N // RCHUNK
CHUNK_ELEMS = RCHUNK * N
GROUPS = CHUNK_ELEMS // (16 * 8)


def _compute_vec(w):
    m = jnp.where(w < 0, w + np.float32(TWO_PI), w)
    m = jnp.where(m >= np.float32(TWO_PI), m - np.float32(TWO_PI), m)
    m = jnp.maximum(m, np.float32(1e-30))
    y = plsc.bitcast(MAGIC - (plsc.bitcast(m, jnp.int32) >> 1), jnp.float32)
    hm = m * np.float32(0.5)
    for _ in range(2):
        y = y * (np.float32(1.5) - hm * y * y)
    s = m * y
    kf = s * KSCALE + np.float32(0.5)
    kq = kf.astype(jnp.int32).astype(jnp.float32)
    t = PH2 * kq * kq
    ph = jnp.where(t > np.float32(np.pi), t - np.float32(TWO_PI), t)
    return ph, kq


def _sc_body(w_hbm, out_hbm, ibuf, obuf):
    wid = lax.axis_index("s") * 2 + lax.axis_index("c")
    lane = lax.iota(jnp.int32, 16)
    elems_per_w = MATS_PER * N * N

    def chunk_body(ci, _):
        base = wid * elems_per_w + ci * CHUNK_ELEMS
        row0 = (ci & (CHUNKS_PER_MAT - 1)) * RCHUNK
        pltpu.sync_copy(w_hbm.at[pl.ds(base, CHUNK_ELEMS)], ibuf)

        @plsc.parallel_loop(0, CHUNK_ELEMS // 16, unroll=8)
        def _(vi):
            w = ibuf[pl.ds(vi * 16, 16)]
            ph, kq = _compute_vec(w)
            thresh = 254 - (row0 + (vi >> 4)) - ((vi & 15) * 16)
            ok = (lane <= thresh) & (kq < KMAX)
            obuf[pl.ds(vi * 16, 16)] = jnp.where(ok, ph, np.float32(0.0))
        pltpu.sync_copy(obuf, out_hbm.at[pl.ds(base, CHUNK_ELEMS)])
        return 0

    lax.fori_loop(0, MATS_PER * CHUNKS_PER_MAT, chunk_body, 0)


def kernel(W):
    flat = W.reshape(B * N * N)
    mesh = plsc.VectorSubcoreMesh(
        core_axis_name="c", subcore_axis_name="s", num_cores=2, num_subcores=16
    )
    out = pl.kernel(
        _sc_body,
        out_type=jax.ShapeDtypeStruct((B * N * N,), jnp.float32),
        mesh=mesh,
        scratch_types=[
            pltpu.VMEM((CHUNK_ELEMS,), jnp.float32),
            pltpu.VMEM((CHUNK_ELEMS,), jnp.float32),
        ],
        compiler_params=pltpu.CompilerParams(needs_layout_passes=False),
    )(flat)
    return out.reshape(B, N, N)

# --- scband reference (transcript-rebuilt; emitter-appended) ---
"""Pipeline reference for scband-voltage-quantize-prune-with-gamma-noise-of-unitary-fn-360777253013 (READ-ONLY COPY).

The authoritative reference and input builder live on the scoring server;
editing this copy changes nothing except your own understanding.
"""

import jax, jax.numpy as jnp
import numpy as np

V_BIT = 8
V_PI = 4.36
V_MAX = 10.8
GAMMA = np.pi / (V_PI ** 2)
B, N = 128, 256


def _triu_masks(n):
    rows, cols = np.triu_indices(n, 1)
    # matches upper_triangle_masks_cpu: second index shifted by (row + 1)
    return rows, cols - rows - 1


def setup_inputs(seed: int = 0) -> dict:
    key = jax.random.key(seed)
    W = jax.random.normal(key, (B, N, N), dtype=jnp.float32)
    return {"W": W}


def reference(W):
    n = W.shape[-1]
    rows_np, cols_np = _triu_masks(n)
    rows = jnp.asarray(rows_np, dtype=jnp.int32)
    cols = jnp.asarray(cols_np, dtype=jnp.int32)
    # upper_triangle_to_vector: gather packed phase vector
    phi_list = W[..., rows, cols]
    # phase_to_voltage (torch branch): sqrt((phase mod 2pi) / gamma)
    v_list = jnp.sqrt(jnp.mod(phi_list, 2.0 * np.pi) / GAMMA)
    # voltage_quantize_fn with v_bit=8: uniform_quantize round to 2^k-1 levels, STE
    nlev = float(2 ** V_BIT - 1)
    x = v_list / V_MAX
    xq = x + jax.lax.stop_gradient(jnp.round(x * nlev) / nlev - x)
    v_q = xq * V_MAX
    # clip_to_valid_quantized_voltage with wrap_around=True: zero out v >= v_2pi
    v_2pi = np.sqrt(2.0 * np.pi / GAMMA)
    v_q = v_q * (v_q < v_2pi).astype(v_q.dtype)
    # voltage_to_phase: gamma*v^2 mod 2pi, wrap to (-pi, pi]
    ph = jnp.mod(GAMMA * v_q * v_q, 2.0 * np.pi)
    ph = jnp.where(ph > np.pi, ph - 2.0 * np.pi, ph)
    # vector_to_upper_triangle: scatter back into zero matrix
    mat = jnp.zeros(W.shape, dtype=W.dtype).at[..., rows, cols].set(ph)
    return mat

if __name__ == "__main__":
    import jax
    _d = setup_inputs()
    print(jax.jit(kernel)(*tuple(_d.values())))

</pallas_src>

<mosaic_0001>
#map = affine_map<(d0, d1) -> (0)>
module attributes {stable_mosaic.version = 14 : i64} {
  func.func @_sc_body(%arg0: i32, %arg1: i32, %arg2: memref<8388608xf32, #tpu.memory_space<hbm>>, %arg3: memref<8388608xf32, #tpu.memory_space<hbm>>, %arg4: memref<8192xf32, #tpu.memory_space<vmem>>, %arg5: memref<8192xf32, #tpu.memory_space<vmem>>) attributes {dimension_semantics = [#tpu.dimension_semantics<core_parallel>, #tpu.dimension_semantics<subcore_parallel>], iteration_bounds = array<i64: 2, 16>, scalar_prefetch = 0 : i64, scratch_operands = 2 : i64, tpu.core_type = #tpu.core_type<sc_vector_subcore>, window_params = [{transform_indices = #map}, {transform_indices = #map}]} {
    %mul3A = arith.constant 2 : i32
    %mul3A_0 = arith.muli %arg1, %mul3A : i32
    %add3A = arith.addi %mul3A_0, %arg0 : i32
    %iota3A = tpu.iota {dimensions = array<i32: 0>} : vector<16xi32>
    %scan3A = arith.constant 0 : i32
    %scan3A_1 = arith.constant 0 : i32
    %scan3A_2 = arith.constant 32 : i32
    %scan3A_3 = arith.addi %scan3A_1, %scan3A_2 : i32
    %scan3A_4 = arith.constant 1 : i32
    %scan3A_5 = scf.for %scan3A_7 = %scan3A_1 to %scan3A_3 step %scan3A_4 iter_args(%scan3A_8 = %scan3A) -> (i32)  : i32 {
      %mul3A_9 = arith.constant 262144 : i32
      %mul3A_10 = arith.muli %add3A, %mul3A_9 : i32
      %mul3A_11 = arith.constant 8192 : i32
      %mul3A_12 = arith.muli %scan3A_7, %mul3A_11 : i32
      %add3A_13 = arith.addi %mul3A_10, %mul3A_12 : i32
      %and3A = arith.constant 7 : i32
      %and3A_14 = arith.andi %scan3A_7, %and3A : i32
      %mul3A_15 = arith.constant 32 : i32
      %mul3A_16 = arith.muli %and3A_14, %mul3A_15 : i32
      "tpu.region"() ({
        %run_scoped3A = tpu.sem_alloc : memref<!tpu.dma_semaphore, #tpu.memory_space<semaphore_mem>>
        %dma_start3A = tpu.memref_slice %arg2[%add3A_13] : memref<8388608xf32, #tpu.memory_space<hbm>> -> memref<8192xf32, #tpu.memory_space<hbm>>
        %dma_start3A_20 = tpu.memref_slice %arg2[%add3A_13] : memref<8388608xf32, #tpu.memory_space<hbm>> -> memref<8192xf32, #tpu.memory_space<hbm>>
        tpu.enqueue_dma source(%dma_start3A_20 : memref<8192xf32, #tpu.memory_space<hbm>>) target(%arg4 : memref<8192xf32, #tpu.memory_space<vmem>>) target_semaphore(%run_scoped3A : memref<!tpu.dma_semaphore, #tpu.memory_space<semaphore_mem>>)
        %dma_wait3A = tpu.memref_slice %arg2[%add3A_13] : memref<8388608xf32, #tpu.memory_space<hbm>> -> memref<8192xf32, #tpu.memory_space<hbm>>
        %dma_wait3A_21 = tpu.memref_slice %arg2[%add3A_13] : memref<8388608xf32, #tpu.memory_space<hbm>> -> memref<8192xf32, #tpu.memory_space<hbm>>
        tpu.wait_dma2 semaphore(%run_scoped3A : memref<!tpu.dma_semaphore, #tpu.memory_space<semaphore_mem>>) src(%dma_wait3A_21 : memref<8192xf32, #tpu.memory_space<hbm>>) dst(%arg4 : memref<8192xf32, #tpu.memory_space<vmem>>)
        tpu.yield
      }) : () -> ()
      %parallel_loop3A = arith.constant 0 : i32
      %parallel_loop3A_17 = arith.constant 512 : i32
      %parallel_loop3A_18 = arith.constant 1 : i32
      scf.for %parallel_loop3A_20 = %parallel_loop3A to %parallel_loop3A_17 step %parallel_loop3A_18  : i32 {
        %parallel_loop3A_21 = arith.constant 16 : i32
        %parallel_loop3A_22 = arith.muli %parallel_loop3A_20, %parallel_loop3A_21 : i32
        %parallel_loop3A_23 = arith.index_cast %parallel_loop3A_22 : i32 to index
        %parallel_loop3A_24 = tpu.vector_load %arg4[%parallel_loop3A_23] {strides = array<i32>} : memref<8192xf32, #tpu.memory_space<vmem>>, vector<16xf32>,
        %parallel_loop3A_25 = arith.constant 0.000000e+00 : f32
        %parallel_loop3A_26 = vector.broadcast %parallel_loop3A_25 : f32 to vector<16xf32>
        %parallel_loop3A_27 = arith.cmpf olt, %parallel_loop3A_24, %parallel_loop3A_26 : vector<16xf32>
        %parallel_loop3A_28 = arith.constant 6.28318548 : f32
        %parallel_loop3A_29 = vector.broadcast %parallel_loop3A_28 : f32 to vector<16xf32>
        %parallel_loop3A_30 = arith.addf %parallel_loop3A_24, %parallel_loop3A_29 : vector<16xf32>
        %parallel_loop3A_31 = arith.select %parallel_loop3A_27, %parallel_loop3A_30, %parallel_loop3A_24 : vector<16xi1>, vector<16xf32>
        %parallel_loop3A_32 = arith.constant 6.28318548 : f32
        %parallel_loop3A_33 = vector.broadcast %parallel_loop3A_32 : f32 to vector<16xf32>
        %parallel_loop3A_34 = arith.cmpf oge, %parallel_loop3A_31, %parallel_loop3A_33 : vector<16xf32>
        %parallel_loop3A_35 = arith.constant 6.28318548 : f32
        %parallel_loop3A_36 = vector.broadcast %parallel_loop3A_35 : f32 to vector<16xf32>
        %parallel_loop3A_37 = arith.subf %parallel_loop3A_31, %parallel_loop3A_36 : vector<16xf32>
        %parallel_loop3A_38 = arith.select %parallel_loop3A_34, %parallel_loop3A_37, %parallel_loop3A_31 : vector<16xi1>, vector<16xf32>
        %parallel_loop3A_39 = arith.constant 1.000000e-30 : f32
        %parallel_loop3A_40 = vector.broadcast %parallel_loop3A_39 : f32 to vector<16xf32>
        %parallel_loop3A_41 = arith.maximumf %parallel_loop3A_38, %parallel_loop3A_40 : vector<16xf32>
        %parallel_loop3A_42 = vector.bitcast %parallel_loop3A_41 : vector<16xf32> to vector<16xi32>
        %parallel_loop3A_43 = arith.constant 1 : i32
        %parallel_loop3A_44 = vector.broadcast %parallel_loop3A_43 : i32 to vector<16xi32>
        %parallel_loop3A_45 = arith.shrsi %parallel_loop3A_42, %parallel_loop3A_44 : vector<16xi32>
        %parallel_loop3A_46 = arith.constant 1597463007 : i32
        %parallel_loop3A_47 = vector.broadcast %parallel_loop3A_46 : i32 to vector<16xi32>
        %parallel_loop3A_48 = arith.subi %parallel_loop3A_47, %parallel_loop3A_45 : vector<16xi32>
        %parallel_loop3A_49 = vector.bitcast %parallel_loop3A_48 : vector<16xi32> to vector<16xf32>
        %parallel_loop3A_50 = arith.constant 5.000000e-01 : f32
        %parallel_loop3A_51 = vector.broadcast %parallel_loop3A_50 : f32 to vector<16xf32>
        %parallel_loop3A_52 = arith.mulf %parallel_loop3A_41, %parallel_loop3A_51 : vector<16xf32>
        %parallel_loop3A_53 = arith.mulf %parallel_loop3A_52, %parallel_loop3A_49 : vector<16xf32>
        %parallel_loop3A_54 = arith.mulf %parallel_loop3A_53, %parallel_loop3A_49 : vector<16xf32>
        %parallel_loop3A_55 = arith.constant 1.500000e+00 : f32
        %parallel_loop3A_56 = vector.broadcast %parallel_loop3A_55 : f32 to vector<16xf32>
        %parallel_loop3A_57 = arith.subf %parallel_loop3A_56, %parallel_loop3A_54 : vector<16xf32>
        %parallel_loop3A_58 = arith.mulf %parallel_loop3A_49, %parallel_loop3A_57 : vector<16xf32>
        %parallel_loop3A_59 = arith.mulf %parallel_loop3A_52, %parallel_loop3A_58 : vector<16xf32>
        %parallel_loop3A_60 = arith.mulf %parallel_loop3A_59, %parallel_loop3A_58 : vector<16xf32>
        %parallel_loop3A_61 = arith.constant 1.500000e+00 : f32
        %parallel_loop3A_62 = vector.broadcast %parallel_loop3A_61 : f32 to vector<16xf32>
        %parallel_loop3A_63 = arith.subf %parallel_loop3A_62, %parallel_loop3A_60 : vector<16xf32>
        %parallel_loop3A_64 = arith.mulf %parallel_loop3A_58, %parallel_loop3A_63 : vector<16xf32>
        %parallel_loop3A_65 = arith.mulf %parallel_loop3A_41, %parallel_loop3A_64 : vector<16xf32>
        %parallel_loop3A_66 = arith.constant 58.0801849 : f32
        %parallel_loop3A_67 = vector.broadcast %parallel_loop3A_66 : f32 to vector<16xf32>
        %parallel_loop3A_68 = arith.mulf %parallel_loop3A_65, %parallel_loop3A_67 : vector<16xf32>
        %parallel_loop3A_69 = arith.constant 5.000000e-01 : f32
        %parallel_loop3A_70 = vector.broadcast %parallel_loop3A_69 : f32 to vector<16xf32>
        %parallel_loop3A_71 = arith.addf %parallel_loop3A_68, %parallel_loop3A_70 : vector<16xf32>
        %parallel_loop3A_72 = arith.fptosi %parallel_loop3A_71 : vector<16xf32> to vector<16xi32>
        %parallel_loop3A_73 = arith.sitofp %parallel_loop3A_72 : vector<16xi32> to vector<16xf32>
        %parallel_loop3A_74 = arith.constant 2.96444952E-4 : f32
        %parallel_loop3A_75 = vector.broadcast %parallel_loop3A_74 : f32 to vector<16xf32>
        %parallel_loop3A_76 = arith.mulf %parallel_loop3A_75, %parallel_loop3A_73 : vector<16xf32>
        %parallel_loop3A_77 = arith.mulf %parallel_loop3A_76, %parallel_loop3A_73 : vector<16xf32>
        %parallel_loop3A_78 = arith.constant 3.14159274 : f32
        %parallel_loop3A_79 = vector.broadcast %parallel_loop3A_78 : f32 to vector<16xf32>
        %parallel_loop3A_80 = arith.cmpf ogt, %parallel_loop3A_77, %parallel_loop3A_79 : vector<16xf32>
        %parallel_loop3A_81 = arith.constant 6.28318548 : f32
        %parallel_loop3A_82 = vector.broadcast %parallel_loop3A_81 : f32 to vector<16xf32>
        %parallel_loop3A_83 = arith.subf %parallel_loop3A_77, %parallel_loop3A_82 : vector<16xf32>
        %parallel_loop3A_84 = arith.select %parallel_loop3A_80, %parallel_loop3A_83, %parallel_loop3A_77 : vector<16xi1>, vector<16xf32>
        %parallel_loop3A_85 = arith.constant 4 : i32
        %parallel_loop3A_86 = arith.shrsi %parallel_loop3A_20, %parallel_loop3A_85 : i32
        %parallel_loop3A_87 = arith.addi %mul3A_16, %parallel_loop3A_86 : i32
        %parallel_loop3A_88 = arith.constant 254 : i32
        %parallel_loop3A_89 = arith.subi %parallel_loop3A_88, %parallel_loop3A_87 : i32
        %parallel_loop3A_90 = arith.constant 15 : i32
        %parallel_loop3A_91 = arith.andi %parallel_loop3A_20, %parallel_loop3A_90 : i32
        %parallel_loop3A_92 = arith.constant 16 : i32
        %parallel_loop3A_93 = arith.muli %parallel_loop3A_91, %parallel_loop3A_92 : i32
        %parallel_loop3A_94 = arith.subi %parallel_loop3A_89, %parallel_loop3A_93 : i32
        %parallel_loop3A_95 = vector.broadcast %parallel_loop3A_94 : i32 to vector<16xi32>
        %parallel_loop3A_96 = arith.cmpi sle, %iota3A, %parallel_loop3A_95 : vector<16xi32>
        %parallel_loop3A_97 = arith.constant 1.455000e+02 : f32
        %parallel_loop3A_98 = vector.broadcast %parallel_loop3A_97 : f32 to vector<16xf32>
        %parallel_loop3A_99 = arith.cmpf olt, %parallel_loop3A_73, %parallel_loop3A_98 : vector<16xf32>
        %parallel_loop3A_100 = arith.andi %parallel_loop3A_96, %parallel_loop3A_99 : vector<16xi1>
        %parallel_loop3A_101 = arith.constant 0.000000e+00 : f32
        %parallel_loop3A_102 = vector.broadcast %parallel_loop3A_101 : f32 to vector<16xf32>
        %parallel_loop3A_103 = arith.select %parallel_loop3A_100, %parallel_loop3A_84, %parallel_loop3A_102 : vector<16xi1>, vector<16xf32>
        %parallel_loop3A_104 = arith.constant 16 : i32
        %parallel_loop3A_105 = arith.muli %parallel_loop3A_20, %parallel_loop3A_104 : i32
        %parallel_loop3A_106 = arith.index_cast %parallel_loop3A_105 : i32 to index
        %parallel_loop3A_107 = tpu.vector_load %arg5[%parallel_loop3A_106] {strides = array<i32>} : memref<8192xf32, #tpu.memory_space<vmem>>, vector<16xf32>,
        tpu.vector_store %arg5[%parallel_loop3A_106], %parallel_loop3A_103 {strides = array<i32>} : memref<8192xf32, #tpu.memory_space<vmem>>, vector<16xf32>,
      } {sc.loop_unroll_factor = 8 : i64, sc.parallel_access}
      "tpu.region"() ({
        %run_scoped3A = tpu.sem_alloc : memref<!tpu.dma_semaphore, #tpu.memory_space<semaphore_mem>>
        %dma_start3A = tpu.memref_slice %arg3[%add3A_13] : memref<8388608xf32, #tpu.memory_space<hbm>> -> memref<8192xf32, #tpu.memory_space<hbm>>
        %dma_start3A_20 = tpu.memref_slice %arg3[%add3A_13] : memref<8388608xf32, #tpu.memory_space<hbm>> -> memref<8192xf32, #tpu.memory_space<hbm>>
        tpu.enqueue_dma source(%arg5 : memref<8192xf32, #tpu.memory_space<vmem>>) target(%dma_start3A_20 : memref<8192xf32, #tpu.memory_space<hbm>>) target_semaphore(%run_scoped3A : memref<!tpu.dma_semaphore, #tpu.memory_space<semaphore_mem>>)
        %dma_wait3A = tpu.memref_slice %arg3[%add3A_13] : memref<8388608xf32, #tpu.memory_space<hbm>> -> memref<8192xf32, #tpu.memory_space<hbm>>
        %dma_wait3A_21 = tpu.memref_slice %arg3[%add3A_13] : memref<8388608xf32, #tpu.memory_space<hbm>> -> memref<8192xf32, #tpu.memory_space<hbm>>
        tpu.wait_dma2 semaphore(%run_scoped3A : memref<!tpu.dma_semaphore, #tpu.memory_space<semaphore_mem>>) src(%arg5 : memref<8192xf32, #tpu.memory_space<vmem>>) dst(%dma_wait3A_21 : memref<8192xf32, #tpu.memory_space<hbm>>)
        tpu.yield
      }) : () -> ()
      %scan3A_19 = arith.constant 0 : i32
      scf.yield %scan3A_19 : i32
    }
    %scan3A_6 = arith.constant 32 : i32
    return
  }
}

</mosaic_0001>

<sc_bundles>
// kernel: kernel.3.cloned.1.call-start
scs
__scs_entry_jumppad:
0x0: {  	(pc) =	sbr.rel $0x88, $3  }
0x1: {  	(tag) =	ssettag $0x0;
	lr =	simm.s32 $0x1  }
0x2: {  	[smem:$0x3FA0] =	sst lr;
	_ =	strace $0xD0000000  }
0x3: {  	_ = 	snop  }
0x4: {  	_ = 	snop  }
0x5: {  	_ = 	snop  }
0x6: {  	_ = 	snop  }
0x7: {  	_ = 	snop  }
__scs_overlays_trampoline_lowered:
0x8: {  	[smem:$0x3FAF] =	sst s0  }
0x9: {  	[smem:$0x3FB0] =	sst s1  }
0xa: {  	[smem:$0x3FB1] =	sst s2  }
0xb: {  	[smem:$0x3FB2] =	sst s3  }
0xc: {  	[smem:$0x3FB3] =	sst s4  }
0xd: {  	[smem:$0x3FB4] =	sst s5  }
0xe: {  	[smem:$0x3FB5] =	sst s6  }
0xf: {  	[smem:$0x3FB6] =	sst s7  }
0x10: {  	[smem:$0x3FB7] =	sst s8  }
0x11: {  	[smem:$0x3FB8] =	sst s9;
	s0 =	simm.s32 @!p0 $0x0  }
0x12: {  	s1 =	sld [smem:$0x3F9E];
	s0 =	simm.s32 @p0 $0x1  }
0x13: {  	[smem:$0x3FB9] =	sst s0;
	s0 =	simm.s32 @!p1 $0x0  }
0x14: {  	s2 =	sld [smem:$0x3F9D];
	s0 =	simm.s32 @p1 $0x1  }
0x15: {  	[smem:$0x3FBA] =	sst s0;
	s0 =	simm.s32 @!p2 $0x0  }
0x16: {  	s3 =	sld [smem:$0x3FDB];
	s0 =	simm.s32 @p2 $0x1  }
0x17: {  	s4 =	simm.s32 $0x1BF5;
	[smem:$0x3FBC] =	sst s0  }
0x18: {  	s0 =	sld [smem:$0x3F9F];
	_ =	swait.ge [sflag:s4], $0x0  }
0x19: {  	s7 =	sld [smem:$0x3FA0]  }
0x1a: {  	s8 =	sadd.s32 $0xFFFFE003, lr  }
0x1b: {  	s9 =	sadd.s32 $0xFFFFFEF7, lr;
	s5 =	simm.s32 $0xFFFFFFFF;
	p2 =	slt.u32 s8, $0xFFFFF086  }
0x1c: {  	p1 =	slt.u32 s9, $0xF7A;
	s5 =	simm.s32 @!p2 $0x0  }
0x1d: {  	s5 =	simm.s32 @p1 $0x1;
	p0 =	seq.s32 s7, s2  }
0x1e: {  	s7 =	smul.u32 @!p0 $0xF7A, s2;
	p2 =	seq.s32 @!p0 s5, $0x0  }
0x1f: {  	s9 =	smul.u32 $0xF7A, s1;
	s8 =	simm.s32 @!p0 $0x1BF5;
	p2 =	por !p2, p0  }
0x20: {  	[sflag:s8] =	ssyncset.s32 @!p0 $0xFFFFF086;
	s6 =	sadd.s32 @!p0 s3, s7;
	s7 =	simm.s32 @!p0 $0x108  }
0x21: {  	s3 =	sadd.s32 s3, s9;
	s6 =	sadd.s32 @!p0 $0x88, s6;
	s7 =	simm.s32 @p2 $0x1082  }
0x22: {  	[simem:s7], [sflag:s8] =	dma.local @!p0 [hbm:s6], $0xF7A  }
0x23: {  	s9 =	sor.u32 $0xD0000000, s2;
	s6 =	simm.s32 $0x108;
	_ =	swait.ge @!p0 [sflag:s8], $0x0  }
0x24: {  	s3 =	sadd.s32 $0x88, s3;
	s6 =	simm.s32 @!p1 $0x1082;
	[sflag:s4] =	ssyncset.s32 $0xFFFFF086  }
0x25: {  	[simem:s6], [sflag:s4] =	dma.local [hbm:s3], $0xF7A  }
0x26: {  	[smem:$0x3FA0] =	sst s1;
	(tag) =	ssettag s2;
	_ =	strace s9  }
0x27: {  	s1 =	sld [smem:$0x3FB0]  }
0x28: {  	s2 =	sld [smem:$0x3FB1]  }
0x29: {  	s4 =	sld [smem:$0x3FB3]  }
0x2a: {  	p0 =	seq.s32 s5, $0x0;
	s5 =	sld [smem:$0x3FB4]  }
0x2b: {  	s6 =	sld [smem:$0x3FB5]  }
0x2c: {  	s7 =	sld [smem:$0x3FB6]  }
0x2d: {  	s3 =	simm.s32 $0x108;
	s8 =	sld [smem:$0x3FB7]  }
0x2e: {  	s3 =	simm.s32 @!p0 $0x1082;
	s9 =	sld [smem:$0x3FB8]  }
0x2f: {  	lr =	sadd.s32 s0, s3;
	s0 =	sld [smem:$0x3FAF]  }
0x30: {  	s3 =	sld [smem:$0x3FB2]  }
0x31: {  	[smem:$0x3FBB] =	sst s10  }
0x32: {  	s10 =	sld [smem:$0x3FB9];
	_ =	sdelay $0x3  }
0x33: {  	p0 =	seq.s32 s10, $0x1;
	s10 =	sld [smem:$0x3FBB];
	_ =	sdelay $0x3  }
0x34: {  	[smem:$0x3FBB] =	sst s10  }
0x35: {  	s10 =	sld [smem:$0x3FBA];
	_ =	sdelay $0x3  }
0x36: {  	p1 =	seq.s32 s10, $0x1;
	s10 =	sld [smem:$0x3FBB];
	_ =	sdelay $0x3  }
0x37: {  	[smem:$0x3FBB] =	sst s10  }
0x38: {  	s10 =	sld [smem:$0x3FBC]  }
0x39: {  	_ = 	snop;
	(pc) =	sbr.ind lr, $3  }
0x3a: {  	_ = 	snop  }
0x3b: {  	_ = 	snop  }
0x3c: {  	p2 =	seq.s32 s10, $0x1;
	s10 =	sld [smem:$0x3FBB]  }
0x3d: {  	_ =	shalt  }
0x3e: {  	_ =	shalt  }
0x3f: {  	_ =	shalt  }
0x40: {  	_ =	shalt  }
0x41: {  	_ =	shalt  }
0x42: {  	_ =	shalt  }
0x43: {  	_ =	shalt  }
0x44: {  	_ =	shalt  }
0x45: {  	_ =	shalt  }
0x46: {  	_ =	shalt  }
0x47: {  	_ =	shalt  }
0x48: {  	_ =	shalt  }
0x49: {  	_ =	shalt  }
0x4a: {  	_ =	shalt  }
0x4b: {  	_ =	shalt  }
0x4c: {  	_ =	shalt  }
0x4d: {  	_ =	shalt  }
0x4e: {  	_ =	shalt  }
0x4f: {  	_ =	shalt  }
0x50: {  	_ =	shalt  }
0x51: {  	_ =	shalt  }
0x52: {  	_ =	shalt  }
0x53: {  	_ =	shalt  }
0x54: {  	_ =	shalt  }
0x55: {  	_ =	shalt  }
0x56: {  	_ =	shalt  }
0x57: {  	_ =	shalt  }
0x58: {  	_ =	shalt  }
0x59: {  	_ =	shalt  }
0x5a: {  	_ =	shalt  }
0x5b: {  	_ =	shalt  }
0x5c: {  	_ =	shalt  }
0x5d: {  	_ =	shalt  }
0x5e: {  	_ =	shalt  }
0x5f: {  	_ =	shalt  }
0x60: {  	_ =	shalt  }
0x61: {  	_ =	shalt  }
0x62: {  	_ =	shalt  }
0x63: {  	_ =	shalt  }
0x64: {  	_ =	shalt  }
0x65: {  	_ =	shalt  }
0x66: {  	_ =	shalt  }
0x67: {  	_ =	shalt  }
0x68: {  	_ =	shalt  }
0x69: {  	_ =	shalt  }
0x6a: {  	_ =	shalt  }
0x6b: {  	_ =	shalt  }
0x6c: {  	_ =	shalt  }
0x6d: {  	_ =	shalt  }
0x6e: {  	_ =	shalt  }
0x6f: {  	_ =	shalt  }
0x70: {  	_ =	shalt  }
0x71: {  	_ =	shalt  }
0x72: {  	_ =	shalt  }
0x73: {  	_ =	shalt  }
0x74: {  	_ =	shalt  }
0x75: {  	_ =	shalt  }
0x76: {  	_ =	shalt  }
0x77: {  	_ =	shalt  }
0x78: {  	_ =	shalt  }
0x79: {  	_ =	shalt  }
0x7a: {  	_ =	shalt  }
0x7b: {  	_ =	shalt  }
0x7c: {  	_ =	shalt  }
0x7d: {  	_ =	shalt  }
0x7e: {  	_ =	shalt  }
0x7f: {  	_ =	shalt  }
0x80: {  	_ =	shalt  }
0x81: {  	_ =	shalt  }
0x82: {  	_ =	shalt  }
0x83: {  	_ =	shalt  }
0x84: {  	_ =	shalt  }
0x85: {  	_ =	shalt  }
0x86: {  	_ =	shalt  }
0x87: {  	_ =	shalt  }
.Lfunc_end0:
.L_simem_size_0:
called_computation.1_lowered:
.L_overlay_start_0:
0x88: {  	s2 =	sld [smem:$0x3FD9]  }
0x89: {  	s3 =	sld [smem:$0x3FFE];
	_ =	sdelay $0x1  }
0x8a: {  	s1 =	srdreg.scid  }
0x8b: {  	s0 =	sand.u32 $0x1, s1  }
0x8c: {  	s17 =	sshll.u32 s0, $0xA;
	s2 =	sadd.s32 s3, s2  }
0x8d: {  	s2 =	sadd.s32 s2, s17  }
0x8e: {  	[smem:$0x3FC7] =	sst s2  }
0x8f: {  	_ = 	snop  }
0x90: {  	s2 =	sld [smem:$0x3FD0];
	(tm) =	ssettm $0x1  }
0x91: {  	s18 =	sld [smem:$0x3FFB];
	_ =	sdelay $0x3  }
0x92: {  	_ =	strace s18  }
0x93: {  	s3 =	sld [smem:$0x3FFC];
	_ =	sdelay $0x3  }
0x94: {  	_ =	strace s3  }
0x95: {  	s3 =	sld [smem:$0x3FFD];
	_ =	sdelay $0x3  }
0x96: {  	_ =	strace s3  }
0x97: {  	_ =	strace $0x8FFFFFFF  }
0x98: {  	s19 =	sld [smem:$0x3FDB];
	_ =	sdelay $0x1  }
0x99: {  	s4 =	simm.s32 $_scs_section_size  }
0x9a: {  	s5 =	simm.s32 $_size__tile_overlayer_lowered;
	s6 =	simm.s32 $_tile_overlayer_lowered  }
0x9b: {  	s22 =	simm.s32 $0x1BFF;
	s21 =	sshll.u32 s6, $0x1;
	s3 =	sadd.s32 s4, s19  }
0x9c: {  	s7 =	simm.s32 $0x0;
	s20 =	sshll.u32 s5, $0x1;
	s5 =	sadd.s32 s21, s3  }
0x9d: {  	[timem:s7], [sflag:s22] =	dma.local [hbm:s5], s20  }
0x9e: {  	_ =	swait.ge [sflag:s22], s20  }
0x9f: {  	s4 =	ssub.s32 $0x0, s20;
	[sflag:s22] =	ssyncset.done $0x0  }
0xa0: {  	[sflag:s22] =	ssyncadd.s32 s4;
	_ =	sdelay $0x1  }
0xa1: {  	s23 =	simm.s32 $0x1B8B  }
0xa2: {  	_ =	swait.ge [sflag:s23], $0x1  }
0xa3: {  	[sflag:s23] =	ssyncset.done $0x0  }
0xa4: {  	s25 =	simm.s32 $0x1B8E;
	s24 =	sld [smem:$0x3FFE];
	[sflag:s23] =	ssyncadd.s32 $0xFFFFFFFF  }
0xa5: {  	s26 =	simm.s32 $execute0_lowered;
	[smem:$0x3FD2] =	sst s25  }
0xa6: {  	s5 =	sshll.u32 s26, $0x1;
	_ =	strace $0x80000049;
	[dreg:$0x1] =	wrdreg $0xFFFFFFFF  }
0xa7: {  	s28 =	simm.s32 $_size_execute0_lowered;
	s3 =	sadd.s32 s3, s5;
	[dreg:$0x0] =	wrdreg $0x0  }
0xa8: {  	s5 =	sshll.u32 s28, $0x1;
	[dreg:$0x2] =	wrdreg s3  }
0xa9: {  	[dreg:$0x3] =	wrdreg s5  }
0xaa: {  	[dreg:$0x4] =	wrdreg $0xC0  }
0xab: {  	_ =	task [dreg:s7], $0x5FFFF  }
0xac: {  	[dreg:$0x1] =	wrdreg $0xFFFFFFFF  }
0xad: {  	[dreg:$0x0] =	wrdreg $0x60  }
0xae: {  	[dreg:$0x2] =	wrdreg s2  }
0xaf: {  	[dreg:$0x3] =	wrdreg s24  }
0xb0: {  	[dreg:$0x4] =	wrdreg $0x9  }
0xb1: {  	_ =	task.clear_ibuf [dreg:s7], $0x5FFFF;
	_ =	strace $0x90000049  }
0xb2: {  	s29 =	simm.s32 $0x9;
	_ =	strace $0x8000004B  }
0xb3: {  	_ =	swait.ge [sflag:s29], $0x1  }
0xb4: {  	[sflag:s29] =	ssyncadd.s32 $0xFFFFFFFF  }
0xb5: {  	_ =	strace $0x9000004B  }
0xb6: {  	_ =	sfence  }
0xb7: {  	s30 =	sld [smem:$0x0];
	_ =	sdelay $0x2  }
0xb8: {  	s31 =	sshll.u32 s1, $0xD;
	s1 =	sshrl.u32 s1, $0x2  }
0xb9: {  	s3 =	sand.u32 $0x4000, s31;
	s1 =	sadd.s32 s1, s30  }
0xba: {  	s0 =	sor.u32 s3, s0;
	s1 =	sshll.u32 s1, $0x11  }
0xbb: {  	s0 =	sor.u32 s1, s0  }
0xbc: {  	s0 =	sadd.s32 $0x8F2B, s0  }
0xbd: {  	[sflag:s0] =	ssyncadd.remote.s32 $0x1  }
0xbe: {  	_ =	sfence.sel $0xFFFF  }
0xbf: {  	[dreg:$0x0] =	wrdreg $0xFFFFFFFF;
	(pc) =	sbr.abs _section_cstart, $3  }
0xc0: {  	[dreg:$0x1] =	wrdreg $0xFFFFFFFF  }
0xc1: {  	_ =	task.clear_ibuf [dreg:s7], $0x2FFFF;
	_ =	strace $0x9FFFFFFF  }
0xc2: {  	(tm) =	ssettm $0x7FFFFFFF  }
0xc3: {  	_ =	shalt  }
tec
execute0_lowered:
.L_overlay_start_1:
0x0: {  	(tag) =	ssettag $0x1  }
0x1: {  	s1 =	rddreg [dreg:$0x0]  }
0x2: {  	s4 =	rddreg [dreg:$0x1]  }
0x3: {  	s3 =	srdreg.scid;
	s0 =	rddreg [dreg:$0x2];
	s2 =	simm.s32 $0x0  }
0x4: {  	s8 =	simm.s32 $0x2000;
	s9 =	simm.s32 $0x0;
	s5 =	sand.u32 $0x1, s3  }
0x5: {  	[smem:$0x7FF] =	sst s2;
	s3 =	stileid.u32;
	s6 =	ssub.s32 $0x2, s5  }
0x6: {  	s4 =	sadd.s32 $0x800, s4;
	_ =	strace $0x8000004A;
	s7 =	sshrl.u32 s6, $0x1  }
0x7: {  	v0 =	vlaneseq.u32;
	s31 =	sshll.u32 s3, $0x10;
	s5 =	sshll.u32 s5, $0xF;
	s6 =	ssub.s32 s6, s7  }
0x8: {  	v0 =	vadd.s32 $0xFFFFFFFF, v0;
	s5 =	sor.u32 s5, s31;
	s7 =	simm.s32 $0x1;
	s6 =	smax.u32 s6, $0x1  }
.LBB2_1:
0x9: {  	s10 =	simm.s32 $0x0  }
.LBB2_2:
0xa: {  	s11 =	sshll.u32 s10, $0xA  }
0xb: {  	s11 =	sadd.s32 s5, s11  }
0xc: {  	s12 =	simm.s32 $0x0;
	s13 =	sadd.s32 s1, s11  }
0xd: {  	[tilespmem:s12], [sflag:$0x1] =	stream.linear.gather [hbm4b:s13+s12], $0x2000, $0x38;
	[tilespmem:$0x4000] =	vst v63  }
0xe: {  	_ =	swait.ge [sflag:s7], $0x2000  }
0xf: {  	[sflag:s7] =	ssyncset.done $0x0  }
0x10: {  	s24 =	simm.s32 $0x40;
	[sflag:s7] =	ssyncadd.s32 $0xFFFFE000  }
0x11: {  	v1 =	vld [tilespmem:s24+$0x30]  }
0x12: {  	v2 =	vld [tilespmem:s24+$0xFFFFFFC0]  }
0x13: {  	s25 =	sshll.u32 s10, $0x5;
	v3 =	vld [tilespmem:s24+$0xFFFFFFD0]  }
0x14: {  	s14 =	simm.s32 $0x0;
	s13 =	sand.u32 $0xE0, s25;
	v4 =	vld [tilespmem:s24+$0xFFFFFFE0]  }
0x15: {  	s15 =	sand.u32 $0x80, s12;
	s14 =	sor.u32 s13, s14;
	v5 =	vld [tilespmem:s24+$0xFFFFFFF0]  }
0x16: {  	s14 =	sadd.s32 s14, s15;
	v7 =	vld [tilespmem:s24+$0x0]  }
0x17: {  	s15 =	ssub.s32 $0x8E, s14;
	v8 =	vld [tilespmem:s24+$0x10]  }
0x18: {  	s26 =	ssub.s32 $0xFE, s14;
	s16 =	ssub.s32 $0xEE, s14;
	s28 =	ssub.s32 $0xDE, s14;
	v11 =	vld [tilespmem:s24+$0x20];
	v32 =	vmov s15  }
0x19: {  	s29 =	ssub.s32 $0xCE, s14;
	v51 =	vmov s26;
	v52 =	vmov s16;
	v53 =	vmov s28  }
0x1a: {  	v54 =	vmov s29;
	v6 =	vadd.f32 $6.283185480e+00, v1;
	vm0 =	vlt.f32 v1, $0.0e+00  }
0x1b: {  	vm1 =	vlt.f32 v2, $0.0e+00;
	v10 =	vadd.f32 $6.283185480e+00, v3;
	vm2 =	vlt.f32 v4, $0.0e+00  }
0x1c: {  	v12 =	vadd.f32 $6.283185480e+00, v4;
	vm4 =	vlt.f32 v5, $0.0e+00;
	v13 =	vadd.f32 $6.283185480e+00, v7  }
0x1d: {  	vm5 =	vlt.f32 v8, $0.0e+00;
	v16 =	vadd.f32 $6.283185480e+00, v8;
	v17 =	vadd.f32 $6.283185480e+00, v11  }
0x1e: {  	v1 =	vsel vm0, v6, v1;
	v6 =	vadd.f32 $6.283185480e+00, v2;
	vm0 =	vlt.f32 v3, $0.0e+00  }
0x1f: {  	v4 =	vsel vm2, v12, v4;
	v8 =	vsel vm5, v16, v8;
	v9 =	vadd.f32 $-6.283185480e+00, v1  }
0x20: {  	vm3 =	vge.f32 v1, $6.283185480e+00;
	v3 =	vsel vm0, v10, v3;
	v12 =	vadd.f32 $-6.283185480e+00, v4  }
0x21: {  	vm2 =	vge.f32 v4, $6.283185480e+00;
	v40 =	vadd.f32 $-6.283185480e+00, v8;
	vm5 =	vge.f32 v8, $6.283185480e+00  }
0x22: {  	v2 =	vsel vm1, v6, v2;
	vm1 =	vlt.f32 v11, $0.0e+00;
	v1 =	vsel vm3, v9, v1  }
0x23: {  	v9 =	vadd.f32 $6.283185480e+00, v5;
	vm3 =	vlt.f32 v7, $0.0e+00;
	v10 =	vsel vm1, v17, v11  }
0x24: {  	vm0 =	vge.f32 v2, $6.283185480e+00;
	v11 =	vadd.f32 $-6.283185480e+00, v3;
	vm1 =	vge.f32 v3, $6.283185480e+00  }
0x25: {  	v4 =	vsel vm2, v12, v4;
	v8 =	vsel vm5, v40, v8;
	v1 =	vmax.f32 v1, $1.000000000e-30  }
0x26: {  	v7 =	vsel vm3, v13, v7;
	v17 =	vadd.f32 $-6.283185480e+00, v10;
	vm6 =	vge.f32 v10, $6.283185480e+00  }
0x27: {  	v4 =	vmax.f32 v4, $1.000000000e-30;
	v8 =	vmax.f32 v8, $1.000000000e-30;
	v14 =	vshra.s32 v1, $0x1  }
0x28: {  	v15 =	vmul.f32 $5.000000000e-01, v1;
	v5 =	vsel vm4, v9, v5;
	v9 =	vadd.f32 $-6.283185480e+00, v2  }
0x29: {  	v39 =	vadd.f32 $-6.283185480e+00, v7;
	vm4 =	vge.f32 v7, $6.283185480e+00;
	v3 =	vsel vm1, v11, v3  }
0x2a: {  	v43 =	vshra.s32 v4, $0x1;
	v19 =	vshra.s32 v8, $0x1;
	v20 =	vmul.f32 $5.000000000e-01, v8  }
0x2b: {  	v14 =	vsub.s32 $0x5F3759DF, v14;
	v38 =	vadd.f32 $-6.283185480e+00, v5;
	vm3 =	vge.f32 v5, $6.283185480e+00  }
0x2c: {  	v10 =	vsel vm6, v17, v10;
	v3 =	vmax.f32 v3, $1.000000000e-30;
	v19 =	vsub.s32 $0x5F3759DF, v19  }
0x2d: {  	v6 =	vmul.f32 v14, v15;
	v2 =	vsel vm0, v9, v2;
	v7 =	vsel vm4, v39, v7  }
0x2e: {  	v41 =	vshra.s32 v3, $0x1;
	v42 =	vmul.f32 $5.000000000e-01, v3;
	v29 =	vmul.f32 v19, v20  }
0x2f: {  	v7 =	vmax.f32 v7, $1.000000000e-30;
	v12 =	vsub.s32 $0x5F3759DF, v41;
	v6 =	vmul.f32 v14, v6  }
0x30: {  	v46 =	vshra.s32 v7, $0x1;
	v18 =	vmul.f32 $5.000000000e-01, v7;
	v24 =	vmul.f32 v12, v42  }
0x31: {  	v29 =	vmul.f32 v19, v29;
	v17 =	vsub.s32 $0x5F3759DF, v46;
	v6 =	vsub.f32 $1.500000000e+00, v6  }
0x32: {  	v5 =	vsel vm3, v38, v5;
	v27 =	vmul.f32 v17, v18;
	v24 =	vmul.f32 v12, v24  }
0x33: {  	v2 =	vmax.f32 v2, $1.000000000e-30;
	v48 =	vsub.f32 $1.500000000e+00, v29;
	v6 =	vmul.f32 v14, v6  }
0x34: {  	v5 =	vmax.f32 v5, $1.000000000e-30;
	v27 =	vmul.f32 v17, v27;
	v24 =	vsub.f32 $1.500000000e+00, v24  }
0x35: {  	v11 =	vshra.s32 v2, $0x1;
	v19 =	vmul.f32 v19, v48;
	v15 =	vmul.f32 v6, v15  }
0x36: {  	v45 =	vmul.f32 $5.000000000e-01, v5;
	v27 =	vsub.f32 $1.500000000e+00, v27;
	v12 =	vmul.f32 v12, v24  }
0x37: {  	v44 =	vshra.s32 v5, $0x1;
	v20 =	vmul.f32 v19, v20;
	v9 =	vmul.f32 v15, v6  }
0x38: {  	v15 =	vsub.s32 $0x5F3759DF, v44;
	v17 =	vmul.f32 v17, v27;
	v13 =	vmul.f32 v12, v42  }
0x39: {  	v20 =	vmul.f32 v20, v19;
	v26 =	vmul.f32 v15, v45;
	v9 =	vsub.f32 $1.500000000e+00, v9  }
0x3a: {  	v11 =	vsub.s32 $0x5F3759DF, v11;
	v18 =	vmul.f32 v17, v18;
	v13 =	vmul.f32 v13, v12  }
0x3b: {  	v57 =	vsub.f32 $1.500000000e+00, v20;
	v26 =	vmul.f32 v15, v26;
	v6 =	vmul.f32 v9, v6  }
0x3c: {  	v9 =	vmax.f32 v10, $1.000000000e-30;
	v10 =	vmul.f32 $5.000000000e-01, v2;
	v18 =	vmul.f32 v18, v17  }
0x3d: {  	v13 =	vsub.f32 $1.500000000e+00, v13;
	v22 =	vmul.f32 $5.000000000e-01, v9;
	v1 =	vmul.f32 v6, v1  }
0x3e: {  	v21 =	vshra.s32 v9, $0x1;
	v6 =	vmul.f32 $5.000000000e-01, v4;
	v23 =	vmul.f32 v11, v10  }
0x3f: {  	v26 =	vsub.f32 $1.500000000e+00, v26;
	v12 =	vmul.f32 v13, v12;
	v13 =	vmul.f32 v57, v19  }
0x40: {  	v21 =	vsub.s32 $0x5F3759DF, v21;
	v1 =	vmul.f32 $5.808018490e+01, v1;
	v23 =	vmul.f32 v11, v23  }
0x41: {  	v14 =	vsub.s32 $0x5F3759DF, v43;
	v30 =	vmul.f32 v21, v22;
	v15 =	vmul.f32 v15, v26  }
0x42: {  	s30 =	ssub.s32 $0xBE, s14;
	v25 =	vmul.f32 v14, v6;
	v1 =	vadd.f32 $5.000000000e-01, v1;
	v23 =	vsub.f32 $1.500000000e+00, v23  }
0x43: {  	s31 =	ssub.s32 $0xAE, s14;
	v55 =	vmov s30;
	v3 =	vmul.f32 v12, v3;
	v30 =	vmul.f32 v21, v30  }
0x44: {  	v59 =	vmov s31;
	v1 =	vtrunc.f32 v1;
	v11 =	vmul.f32 v11, v23  }
0x45: {  	vm7 =	vgt.s32 v51, v0;
	v25 =	vmul.f32 v14, v25;
	v1 =	vcvt.f32.s32 v1  }
0x46: {  	v56 =	vsub.f32 $1.500000000e+00, v18;
	v16 =	vmul.f32 v15, v45;
	v10 =	vmul.f32 v11, v10  }
0x47: {  	v28 =	vcvt.s32.f32 v1;
	vm2 =	vlt.s32 v1, $0x92;
	v1 =	vsub.f32 $1.500000000e+00, v25  }
0x48: {  	vm8 =	vgt.s32 v52, v0;
	v3 =	vmul.f32 $5.808018490e+01, v3;
	v10 =	vmul.f32 v10, v11  }
0x49: {  	v58 =	vmul.f32 v56, v17;
	v49 =	vsub.f32 $1.500000000e+00, v30;
	v1 =	vmul.f32 v14, v1  }
0x4a: {  	v16 =	vmul.f32 v16, v15;
	v3 =	vadd.f32 $5.000000000e-01, v3;
	v10 =	vsub.f32 $1.500000000e+00, v10  }
0x4b: {  	vm10 =	vgt.s32 v54, v0;
	v21 =	vmul.f32 v21, v49;
	v6 =	vmul.f32 v1, v6  }
0x4c: {  	vm14 =	vgt.s32 v59, v0;
	v3 =	vtrunc.f32 v3;
	v10 =	vmul.f32 v10, v11  }
0x4d: {  	vm1 =	vgt.s32 v32, v0;
	v22 =	vmul.f32 v21, v22;
	v6 =	vmul.f32 v6, v1  }
0x4e: {  	vm3 =	vgt.s32 v55, v0;
	v3 =	vcvt.f32.s32 v3;
	v2 =	vmul.f32 v10, v2  }
0x4f: {  	v22 =	vmul.f32 v22, v21;
	v11 =	vsub.f32 $1.500000000e+00, v16;
	v6 =	vsub.f32 $1.500000000e+00, v6  }
0x50: {  	v31 =	vmul.f32 $2.964449520e-04, v28;
	vm11 =	vlt.s32 v3, $0x92;
	v2 =	vmul.f32 $5.808018490e+01, v2  }
0x51: {  	v1 =	vmul.f32 v6, v1;
	v6 =	vmul.f32 v11, v15;
	v11 =	vsub.f32 $1.500000000e+00, v22  }
0x52: {  	v3 =	vcvt.s32.f32 v3;
	vm8 =	vmand vm8, vm11;
	v28 =	vmul.f32 v28, v31  }
0x53: {  	v2 =	vadd.f32 $5.000000000e-01, v2;
	v11 =	vmul.f32 v11, v21;
	v1 =	vmul.f32 v1, v4  }
0x54: {  	v31 =	vadd.f32 $-6.283185480e+00, v28;
	v4 =	vmul.f32 v6, v5;
	v5 =	vmul.f32 v58, v7  }
0x55: {  	s14 =	ssub.s32 $0x9E, s14;
	vm0 =	vgt.f32 v28, $3.141592740e+00;
	v6 =	vmul.f32 v13, v8;
	v2 =	vtrunc.f32 v2  }
0x56: {  	v10 =	vmov s14;
	v7 =	vmul.f32 v11, v9;
	v1 =	vmul.f32 $5.808018490e+01, v1  }
0x57: {  	v47 =	vsel vm0, v31, v28;
	v4 =	vmul.f32 $5.808018490e+01, v4;
	v5 =	vmul.f32 $5.808018490e+01, v5  }
0x58: {  	v6 =	vmul.f32 $5.808018490e+01, v6;
	v2 =	vcvt.f32.s32 v2;
	v1 =	vadd.f32 $5.000000000e-01, v1  }
0x59: {  	v7 =	vmul.f32 $5.808018490e+01, v7;
	v4 =	vadd.f32 $5.000000000e-01, v4;
	v5 =	vadd.f32 $5.000000000e-01, v5  }
0x5a: {  	v6 =	vadd.f32 $5.000000000e-01, v6;
	vm9 =	vlt.s32 v2, $0x92;
	v2 =	vcvt.s32.f32 v2  }
0x5b: {  	vm0 =	vmand vm1, vm2;
	v1 =	vtrunc.f32 v1;
	v4 =	vtrunc.f32 v4  }
0x5c: {  	v7 =	vadd.f32 $5.000000000e-01, v7;
	v5 =	vtrunc.f32 v5;
	v6 =	vtrunc.f32 v6  }
0x5d: {  	vm2 =	vgt.s32 v10, v0;
	v1 =	vcvt.f32.s32 v1;
	v4 =	vcvt.f32.s32 v4  }
0x5e: {  	v50 =	vnsel vm0, $0x0, v47;
	v5 =	vcvt.f32.s32 v5;
	v7 =	vtrunc.f32 v7  }
0x5f: {  	v6 =	vcvt.f32.s32 v6;
	v7 =	vcvt.f32.s32 v7;
	vm12 =	vlt.s32 v1, $0x92  }
0x60: {  	v1 =	vcvt.s32.f32 v1;
	v8 =	vcvt.s32.f32 v4;
	vm13 =	vlt.s32 v4, $0x92  }
0x61: {  	v4 =	vcvt.s32.f32 v5;
	vm5 =	vlt.s32 v5, $0x92;
	v9 =	vcvt.s32.f32 v6  }
0x62: {  	v5 =	vmul.f32 $2.964449520e-04, v2;
	vm4 =	vlt.s32 v6, $0x92;
	v6 =	vmul.f32 $2.964449520e-04, v3  }
0x63: {  	vm0 =	vgt.s32 v53, v0;
	v11 =	vcvt.s32.f32 v7;
	v10 =	vmul.f32 $2.964449520e-04, v1  }
0x64: {  	vm9 =	vmand vm7, vm9;
	v60 =	vmul.f32 $2.964449520e-04, v8;
	v61 =	vmul.f32 $2.964449520e-04, v4  }
0x65: {  	vm6 =	vlt.s32 v7, $0x92;
	v62 =	vmul.f32 $2.964449520e-04, v9;
	v7 =	vmul.f32 v2, v5  }
0x66: {  	vm7 =	vmand vm0, vm12;
	v3 =	vmul.f32 v3, v6;
	v63 =	vmul.f32 $2.964449520e-04, v11  }
0x67: {  	vm12 =	vmand vm10, vm13;
	v6 =	vmul.f32 v1, v10;
	v2 =	vmul.f32 v8, v60  }
0x68: {  	s15 =	simm.s32 $0x2040;
	v8 =	vadd.f32 $-6.283185480e+00, v7;
	v5 =	vmul.f32 v4, v61;
	v1 =	vmul.f32 v9, v62  }
0x69: {  	s17 =	simm.s32 $0xC0;
	s16 =	simm.s32 $0x0;
	s14 =	simm.s32 $0x2040;
	[tilespmem:s15+$0x30] =	vst v50;
	v10 =	vadd.f32 $-6.283185480e+00, v3;
	v9 =	vadd.f32 $-6.283185480e+00, v6;
	v4 =	vmul.f32 v11, v63  }
.LBB2_3:
0x6a: {  	v11 =	vimm.s32 $0x0;
	vm10 =	vgt.f32 v7, $3.141592740e+00;
	vm11 =	vgt.f32 v3, $3.141592740e+00  }
0x6b: {  	v11 =	vsel vm2, $0xFFFFFFFF, v11;
	v16 =	vadd.f32 $-6.283185480e+00, v2;
	v17 =	vadd.f32 $-6.283185480e+00, v5  }
0x6c: {  	v19 =	vadd.f32 $-6.283185480e+00, v1;
	v15 =	vadd.f32 $-6.283185480e+00, v4;
	vm13 =	vgt.f32 v2, $3.141592740e+00  }
0x6d: {  	vm2 =	vmmov vm14;
	vm14 =	vgt.f32 v5, $3.141592740e+00;
	v14 =	vsel vm10, v8, v7  }
0x6e: {  	v18 =	vld [tilespmem:s17+$0xFFFFFFC0];
	vm15 =	vgt.f32 v1, $3.141592740e+00;
	vm10 =	vgt.f32 v4, $3.141592740e+00;
	v13 =	vsel vm11, v10, v3  }
0x6f: {  	v20 =	vld [tilespmem:s17+$0xFFFFFFD0];
	[tilespmem:$0x1FFE0] =	vst v11;
	v11 =	vimm.s32 $0x0;
	v14 =	vnsel vm9, $0x0, v14;
	v13 =	vnsel vm8, $0x0, v13  }
0x70: {  	v7 =	vld [tilespmem:s17+$0xFFFFFFF0];
	v11 =	vsel vm12, $0xFFFFFFFF, v11;
	vm12 =	vgt.f32 v6, $3.141592740e+00;
	v3 =	vsel vm13, v16, v2  }
0x71: {  	v61 =	vld [tilespmem:s17+$0x20];
	v2 =	vsel vm14, v17, v5;
	v1 =	vsel vm15, v19, v1;
	v4 =	vsel vm10, v15, v4  }
0x72: {  	vm10 =	vmand vm3, vm5;
	vm5 =	vmand vm2, vm4;
	[tilespmem:$0x1FFF0] =	vst v11;
	v11 =	vld [tilespmem:s17+$0x30];
	v12 =	vsel vm12, v9, v6  }
0x73: {  	v6 =	vld [tilespmem:s17+$0x0];
	v2 =	vnsel vm10, $0x0, v2;
	v1 =	vnsel vm5, $0x0, v1;
	vm11 =	vlt.f32 v18, $0.0e+00  }
0x74: {  	v9 =	vld [tilespmem:s17+$0x10];
	v5 =	vadd.f32 $6.283185480e+00, v18;
	vm13 =	vlt.f32 v20, $0.0e+00;
	v10 =	vadd.f32 $6.283185480e+00, v20  }
0x75: {  	v21 =	vld [tilespmem:s17+$0xFFFFFFE0];
	v12 =	vnsel vm7, $0x0, v12;
	vm14 =	vlt.f32 v7, $0.0e+00;
	v63 =	vadd.f32 $6.283185480e+00, v7  }
0x76: {  	v5 =	vsel vm11, v5, v18;
	vm11 =	vlt.f32 v61, $0.0e+00;
	v10 =	vsel vm13, v10, v20  }
0x77: {  	v7 =	vsel vm14, v63, v7;
	v31 =	vadd.f32 $-6.283185480e+00, v5;
	v33 =	vadd.f32 $-6.283185480e+00, v10  }
0x78: {  	v8 =	vadd.f32 $6.283185480e+00, v11;
	vm12 =	vlt.f32 v11, $0.0e+00;
	v22 =	vadd.f32 $6.283185480e+00, v6  }
0x79: {  	vm0 =	vlt.f32 v6, $0.0e+00;
	v28 =	vadd.f32 $6.283185480e+00, v9;
	v35 =	vadd.f32 $-6.283185480e+00, v7  }
0x7a: {  	vm13 =	vge.f32 v7, $6.283185480e+00;
	v8 =	vsel vm12, v8, v11;
	vm12 =	vlt.f32 v21, $0.0e+00  }
0x7b: {  	v11 =	vadd.f32 $6.283185480e+00, v21;
	v6 =	vsel vm0, v22, v6;
	vm0 =	vge.f32 v5, $6.283185480e+00  }
0x7c: {  	v7 =	vsel vm13, v35, v7;
	v62 =	vadd.f32 $-6.283185480e+00, v8;
	vm15 =	vge.f32 v8, $6.283185480e+00  }
0x7d: {  	v22 =	vadd.f32 $-6.283185480e+00, v6;
	vm14 =	vge.f32 v6, $6.283185480e+00;
	v5 =	vsel vm0, v31, v5  }
0x7e: {  	v11 =	vsel vm12, v11, v21;
	v8 =	vsel vm15, v62, v8;
	vm15 =	vlt.f32 v9, $0.0e+00  }
0x7f: {  	v34 =	vadd.f32 $-6.283185480e+00, v11;
	vm12 =	vge.f32 v11, $6.283185480e+00;
	v6 =	vsel vm14, v22, v6  }
0x80: {  	v23 =	vmax.f32 v8, $1.000000000e-30;
	v8 =	vadd.f32 $6.283185480e+00, v61;
	v9 =	vsel vm15, v28, v9  }
0x81: {  	s16 =	sadd.s32 $0x8, s16;
	v6 =	vmax.f32 v6, $1.000000000e-30;
	v24 =	vshra.s32 v23, $0x1;
	v25 =	vmul.f32 $5.000000000e-01, v23  }
0x82: {  	s12 =	sadd.s32 $0x80, s12;
	s18 =	sshrl.u32 s16, $0x4;
	v36 =	vadd.f32 $-6.283185480e+00, v9;
	vm15 =	vge.f32 v9, $6.283185480e+00;
	v38 =	vsel vm12, v34, v11  }
0x83: {  	s19 =	sand.u32 $0x80, s12;
	s18 =	sor.u32 s13, s18;
	v11 =	vmax.f32 v5, $1.000000000e-30;
	v5 =	vmax.f32 v7, $1.000000000e-30;
	v48 =	vshra.s32 v6, $0x1  }
0x84: {  	s18 =	sadd.s32 s18, s19;
	v49 =	vmul.f32 $5.000000000e-01, v6;
	v29 =	vsub.s32 $0x5F3759DF, v24;
	v8 =	vsel vm11, v8, v61  }
0x85: {  	s21 =	ssub.s32 $0x8E, s18;
	vm11 =	vge.f32 v10, $6.283185480e+00;
	v41 =	vshra.s32 v11, $0x1;
	v19 =	vmul.f32 $5.000000000e-01, v11  }
0x86: {  	v46 =	vshra.s32 v5, $0x1;
	v47 =	vmul.f32 $5.000000000e-01, v5;
	v61 =	vmov s21  }
0x87: {  	v30 =	vmul.f32 v29, v25;
	v26 =	vadd.f32 $-6.283185480e+00, v8;
	vm1 =	vge.f32 v8, $6.283185480e+00  }
0x88: {  	v10 =	vsel vm11, v33, v10;
	v39 =	vsel vm15, v36, v9;
	v9 =	vmax.f32 v38, $1.000000000e-30  }
0x89: {  	v18 =	vsub.s32 $0x5F3759DF, v41;
	v24 =	vsub.s32 $0x5F3759DF, v46;
	v45 =	vmul.f32 $5.000000000e-01, v9  }
0x8a: {  	v44 =	vshra.s32 v9, $0x1;
	v31 =	vmul.f32 v18, v19;
	v33 =	vmul.f32 v24, v47  }
0x8b: {  	v32 =	vmul.f32 v29, v30;
	v40 =	vsel vm1, v26, v8;
	v8 =	vmax.f32 v10, $1.000000000e-30  }
0x8c: {  	s31 =	ssub.s32 $0xAE, s18;
	v10 =	vmax.f32 v39, $1.000000000e-30;
	v21 =	vsub.s32 $0x5F3759DF, v44;
	vm1 =	vgt.s32 v61, v0  }
0x8d: {  	v44 =	vmov s31;
	v7 =	vmax.f32 v40, $1.000000000e-30;
	v42 =	vshra.s32 v8, $0x1  }
0x8e: {  	s22 =	ssub.s32 $0xDE, s18;
	v43 =	vmul.f32 $5.000000000e-01, v8;
	v27 =	vshra.s32 v10, $0x1;
	v28 =	vmul.f32 $5.000000000e-01, v10  }
0x8f: {  	v31 =	vmul.f32 v18, v31;
	v55 =	vmul.f32 v24, v33;
	v40 =	vmov s22  }
0x90: {  	v16 =	vsub.f32 $1.500000000e+00, v32;
	v20 =	vsub.s32 $0x5F3759DF, v42;
	v30 =	vmul.f32 $5.000000000e-01, v7  }
0x91: {  	v27 =	vsub.s32 $0x5F3759DF, v27;
	v32 =	vmul.f32 v21, v45;
	v50 =	vmul.f32 v20, v43  }
0x92: {  	vm14 =	vgt.s32 v44, v0;
	v51 =	vmul.f32 v27, v28;
	v16 =	vmul.f32 v29, v16  }
0x93: {  	v54 =	vsub.f32 $1.500000000e+00, v31;
	v31 =	vsub.f32 $1.500000000e+00, v55;
	v53 =	vmul.f32 v21, v32  }
0x94: {  	v29 =	vshra.s32 v7, $0x1;
	v52 =	vmul.f32 v20, v50;
	v37 =	vmul.f32 v16, v25  }
0x95: {  	[tilespmem:s15+$0xFFFFFFD0] =	vst v13;
	v29 =	vsub.s32 $0x5F3759DF, v29;
	v59 =	vmul.f32 v27, v51;
	v13 =	vmul.f32 v18, v54  }
0x96: {  	v36 =	vld [tilespmem:$0x1FFE0];
	v39 =	vmul.f32 v24, v31;
	v15 =	vsub.f32 $1.500000000e+00, v53;
	v17 =	vmul.f32 v37, v16  }
0x97: {  	v57 =	vsub.f32 $1.500000000e+00, v52;
	v63 =	vsub.f32 $1.500000000e+00, v59;
	v19 =	vmul.f32 v13, v19  }
0x98: {  	s23 =	ssub.s32 $0xCE, s18;
	v25 =	vmul.f32 v39, v47;
	v37 =	vmul.f32 v29, v30;
	v17 =	vsub.f32 $1.500000000e+00, v17  }
0x99: {  	[tilespmem:s15+$0xFFFFFFE0] =	vst v12;
	v42 =	vmov s23;
	v15 =	vmul.f32 v21, v15;
	v12 =	vmul.f32 v20, v57  }
0x9a: {  	vm11 =	vgt.s32 v40, v0;
	v18 =	vmul.f32 v27, v63;
	v16 =	vmul.f32 v17, v16  }
0x9b: {  	vm0 =	vnez.u8 v36;
	v19 =	vmul.f32 v19, v13;
	v60 =	vmul.f32 v29, v37  }
0x9c: {  	vm12 =	vgt.s32 v42, v0;
	v22 =	vmul.f32 v15, v45;
	v16 =	vmul.f32 v16, v23  }
0x9d: {  	v28 =	vmul.f32 v18, v28;
	v19 =	vsub.f32 $1.500000000e+00, v19;
	v17 =	vmul.f32 v12, v43  }
0x9e: {  	v36 =	vsub.f32 $1.500000000e+00, v60;
	v47 =	vmul.f32 v22, v15;
	v16 =	vmul.f32 $5.808018490e+01, v16  }
0x9f: {  	v50 =	vmul.f32 v28, v18;
	v13 =	vmul.f32 v19, v13;
	v23 =	vsub.s32 $0x5F3759DF, v48  }
0xa0: {  	v41 =	vmul.f32 v29, v36;
	v34 =	vmul.f32 v23, v49;
	v16 =	vadd.f32 $5.000000000e-01, v16  }
0xa1: {  	vm4 =	vmand vm0, vm6;
	v46 =	vmul.f32 v17, v12;
	v48 =	vmul.f32 v25, v39  }
0xa2: {  	v17 =	vsub.f32 $1.500000000e+00, v47;
	v58 =	vmul.f32 v23, v34;
	v16 =	vtrunc.f32 v16  }
0xa3: {  	v54 =	vsub.f32 $1.500000000e+00, v50;
	v11 =	vmul.f32 v13, v11;
	v16 =	vcvt.f32.s32 v16  }
0xa4: {  	[tilespmem:s15+$0xFFFFFFC0] =	vst v14;
	v30 =	vmul.f32 v41, v30;
	v15 =	vmul.f32 v17, v15;
	v14 =	vsub.f32 $1.500000000e+00, v58  }
0xa5: {  	[tilespmem:s14+$0x10] =	vst v1;
	v1 =	vnsel vm4, $0x0, v4;
	v57 =	vmul.f32 v54, v18;
	v35 =	vcvt.s32.f32 v16  }
0xa6: {  	s19 =	ssub.s32 $0xFE, s18;
	v52 =	vsub.f32 $1.500000000e+00, v48;
	v11 =	vmul.f32 $5.808018490e+01, v11;
	v14 =	vmul.f32 v23, v14  }
0xa7: {  	s20 =	ssub.s32 $0xEE, s18;
	s24 =	ssub.s32 $0xBE, s18;
	s18 =	ssub.s32 $0x9E, s18;
	v37 =	vmov s19;
	v51 =	vmul.f32 v30, v41;
	v38 =	vmul.f32 $2.964449520e-04, v35  }
0xa8: {  	v45 =	vmov s18;
	v55 =	vmul.f32 v52, v39;
	v26 =	vmul.f32 v14, v49  }
0xa9: {  	vm7 =	vgt.s32 v37, v0;
	v9 =	vmul.f32 v15, v9;
	v56 =	vmul.f32 v35, v38  }
0xaa: {  	v43 =	vmov s24;
	v10 =	vmul.f32 v57, v10;
	v49 =	vmul.f32 v26, v14  }
0xab: {  	v5 =	vmul.f32 v55, v5;
	v9 =	vmul.f32 $5.808018490e+01, v9;
	v35 =	vadd.f32 $-6.283185480e+00, v56  }
0xac: {  	vm2 =	vlt.s32 v16, $0x92;
	v53 =	vsub.f32 $1.500000000e+00, v49;
	vm0 =	vgt.f32 v56, $3.141592740e+00  }
0xad: {  	v10 =	vmul.f32 $5.808018490e+01, v10;
	v62 =	vsel vm0, v35, v56;
	vm0 =	vmand vm1, vm2  }
0xae: {  	s15 =	sadd.s32 $0x80, s15;
	v14 =	vmul.f32 v53, v14;
	v56 =	vsub.f32 $1.500000000e+00, v51;
	v16 =	vnsel vm0, $0x0, v62  }
0xaf: {  	v5 =	vmul.f32 $5.808018490e+01, v5;
	v10 =	vadd.f32 $5.000000000e-01, v10;
	[tilespmem:s15+$0x30] =	vst v16;
	v16 =	vsub.f32 $1.500000000e+00, v46  }
0xb0: {  	v59 =	vld [tilespmem:$0x1FFF0];
	vm3 =	vgt.s32 v43, v0;
	v6 =	vmul.f32 v14, v6;
	v58 =	vmul.f32 v56, v41  }
0xb1: {  	v5 =	vadd.f32 $5.000000000e-01, v5;
	v10 =	vtrunc.f32 v10;
	v12 =	vmul.f32 v16, v12  }
0xb2: {  	v11 =	vadd.f32 $5.000000000e-01, v11;
	v6 =	vmul.f32 $5.808018490e+01, v6;
	v7 =	vmul.f32 v58, v7  }
0xb3: {  	v5 =	vtrunc.f32 v5;
	v38 =	vmov s20;
	v8 =	vmul.f32 v12, v8  }
0xb4: {  	[tilespmem:s14+$0x20] =	vst v1;
	v1 =	vcvt.f32.s32 v5;
	v6 =	vadd.f32 $5.000000000e-01, v6;
	v7 =	vmul.f32 $5.808018490e+01, v7  }
0xb5: {  	vm8 =	vgt.s32 v38, v0;
	vm0 =	vnez.u8 v59;
	v8 =	vmul.f32 $5.808018490e+01, v8  }
0xb6: {  	v3 =	vnsel vm0, $0x0, v3;
	v6 =	vtrunc.f32 v6;
	v7 =	vadd.f32 $5.000000000e-01, v7  }
0xb7: {  	[tilespmem:s14+$0xFFFFFFF0] =	vst v3;
	v5 =	vcvt.f32.s32 v6;
	v6 =	vcvt.f32.s32 v10;
	v3 =	vadd.f32 $5.000000000e-01, v8  }
0xb8: {  	v8 =	vadd.f32 $5.000000000e-01, v9;
	v9 =	vtrunc.f32 v11;
	v7 =	vtrunc.f32 v7  }
0xb9: {  	[tilespmem:s14+$0x0] =	vst v2;
	vm13 =	vlt.s32 v1, $0x92;
	v2 =	vcvt.f32.s32 v9;
	v7 =	vcvt.f32.s32 v7  }
0xba: {  	vm12 =	vmand vm12, vm13;
	v9 =	vcvt.s32.f32 v6;
	v3 =	vtrunc.f32 v3  }
0xbb: {  	vm2 =	vgt.s32 v45, v0;
	v8 =	vtrunc.f32 v8;
	v3 =	vcvt.f32.s32 v3  }
0xbc: {  	v4 =	vcvt.f32.s32 v8;
	vm0 =	vlt.s32 v2, $0x92;
	v2 =	vcvt.s32.f32 v2  }
0xbd: {  	vm5 =	vlt.s32 v5, $0x92;
	v8 =	vcvt.s32.f32 v1;
	v1 =	vcvt.s32.f32 v5  }
0xbe: {  	v11 =	vcvt.s32.f32 v7;
	v62 =	vmul.f32 $2.964449520e-04, v9;
	vm1 =	vlt.s32 v3, $0x92  }
0xbf: {  	v3 =	vcvt.s32.f32 v3;
	vm10 =	vlt.s32 v4, $0x92;
	v4 =	vcvt.s32.f32 v4  }
0xc0: {  	vm4 =	vlt.s32 v6, $0x92;
	v5 =	vmul.f32 $2.964449520e-04, v2;
	v60 =	vmul.f32 $2.964449520e-04, v8  }
0xc1: {  	p0 =	slt.u32 s16, $0x1F8;
	vm6 =	vlt.s32 v7, $0x92;
	v61 =	vmul.f32 $2.964449520e-04, v1;
	v63 =	vmul.f32 $2.964449520e-04, v11  }
.Ltmp0:
0xc2: {  	vm9 =	vmand vm7, vm0;
	v6 =	vmul.f32 $2.964449520e-04, v3;
	v10 =	vmul.f32 $2.964449520e-04, v4;
	(pc) =	sbr.rel @p0 .LBB2_3-.Ltmp0, $4  }
0xc3: {  	vm8 =	vmand vm8, vm1;
	v7 =	vmul.f32 v2, v5;
	v2 =	vmul.f32 v8, v60  }
0xc4: {  	vm7 =	vmand vm11, vm10;
	v3 =	vmul.f32 v3, v6;
	v6 =	vmul.f32 v4, v10  }
0xc5: {  	v5 =	vmul.f32 v1, v61;
	v1 =	vmul.f32 v9, v62;
	v8 =	vadd.f32 $-6.283185480e+00, v7  }
0xc6: {  	s17 =	sadd.s32 $0x80, s17;
	s14 =	smov.u32 s15;
	v4 =	vmul.f32 v11, v63;
	v10 =	vadd.f32 $-6.283185480e+00, v3;
	v9 =	vadd.f32 $-6.283185480e+00, v6  }
0xc7: {  	vm0 =	vgt.f32 v7, $3.141592740e+00;
	v11 =	vadd.f32 $-6.283185480e+00, v2;
	v12 =	vadd.f32 $-6.283185480e+00, v5  }
0xc8: {  	vm1 =	vgt.f32 v3, $3.141592740e+00;
	v13 =	vadd.f32 $-6.283185480e+00, v1;
	vm10 =	vgt.f32 v6, $3.141592740e+00  }
0xc9: {  	vm11 =	vgt.f32 v2, $3.141592740e+00;
	vm13 =	vgt.f32 v5, $3.141592740e+00;
	v7 =	vsel vm0, v8, v7  }
0xca: {  	vm14 =	vmand vm14, vm4;
	v3 =	vsel vm1, v10, v3;
	v7 =	vnsel vm9, $0x0, v7  }
0xcb: {  	v14 =	vadd.f32 $-6.283185480e+00, v4;
	v6 =	vsel vm10, v9, v6;
	v3 =	vnsel vm8, $0x0, v3;
	[tilespmem:s15+$0xFFFFFFC0] =	vst v7  }
0xcc: {  	vm1 =	vgt.f32 v1, $3.141592740e+00;
	v2 =	vsel vm11, v11, v2;
	[tilespmem:s15+$0xFFFFFFD0] =	vst v3;
	v3 =	vnsel vm7, $0x0, v6  }
0xcd: {  	vm15 =	vgt.f32 v4, $3.141592740e+00;
	v1 =	vsel vm1, v13, v1;
	v2 =	vnsel vm12, $0x0, v2;
	[tilespmem:s15+$0xFFFFFFE0] =	vst v3  }
0xce: {  	v5 =	vsel vm13, v12, v5;
	vm13 =	vmand vm3, vm5;
	v1 =	vnsel vm14, $0x0, v1;
	[tilespmem:s14+$0xFFFFFFF0] =	vst v2  }
0xcf: {  	s10 =	sadd.s32 $0x1, s10;
	v2 =	vnsel vm13, $0x0, v5;
	v3 =	vsel vm15, v14, v4;
	vm15 =	vmand vm2, vm6;
	[tilespmem:s14+$0x10] =	vst v1  }
0xd0: {  	p0 =	sne.s32 s10, $0x20;
	[tilespmem:s14+$0x0] =	vst v2;
	v1 =	vnsel vm15, $0x0, v3  }
.Ltmp1:
0xd1: {  	s11 =	sadd.s32 s4, s11;
	[tilespmem:s14+$0x20] =	vst v1;
	(pc) =	sbr.rel @p0 .LBB2_2-.Ltmp1, $4  }
0xd2: {  	[hbm4b:s11+s2] =	stream.linear.scatter [tilespmem:s8], [sflag:$0x1], $0x2000, $0x38;
	[tilespmem:$0x4000] =	vst v63  }
0xd3: {  	_ =	swait.ge [sflag:s7], $0x2000  }
0xd4: {  	[sflag:s7] =	ssyncset.done $0x0  }
0xd5: {  	[sflag:s7] =	ssyncadd.s32 $0xFFFFE000  }
0xd6: {  	s9 =	sadd.s32 $0x1, s9  }
0xd7: {  	p0 =	sne.s32 s9, s6  }
.Ltmp2:
0xd8: {  	_ = 	snop;
	(pc) =	sbr.rel @p0 .LBB2_1-.Ltmp2, $1  }
0xd9: {  	_ =	sdelay $0x3  }
0xda: {  	_ =	sfence.sel $0x180000  }
0xdb: {  	[bflag:$0x0] =	sbarrier.arrive $0xFFFF  }
0xdc: {  	p0 =	sne.s32 s3, $0x0;
	_ =	strace $0x9000004A  }
0xdd: {  	s0 =	sadd.s32 @!p0 $0x100000, s0;
	[bflag:$0x2] =	sbarrier.arrive $0xFFFF  }
0xde: {  	[sflag:s0] =	ssyncadd.tile.s32 @!p0 $0x1;
	_ =	shalt  }
.Lfunc_end2:
_tile_overlayer_lowered:
.L_overlay_start_2:
0xdf: {  	(tag) =	ssettag $0x2  }
0xe0: {  	s0 =	rddreg [dreg:$0x0];
	s2 =	stileid.u32  }
0xe1: {  	s1 =	rddreg [dreg:$0x1];
	p0 =	sne.s32 s2, $0x0  }
0xe2: {  	s3 =	rddreg [dreg:$0x2];
	[bflag:$0x3] =	sbarrier.arrive $0xFFFF;
	s2 =	simm.s32 @!p0 $0x1C01  }
0xe3: {  	[timem:s3], [sflag:s2] =	dma.local @!p0 [hbm:s0], s1  }
0xe4: {  	s0 =	simm.s32 @!p0 $0x1  }
0xe5: {  	_ =	swait.ge @!p0 [sflag:s0], s1  }
0xe6: {  	s1 =	ssub.s32 @!p0 $0x0, s1;
	[sflag:s0] =	ssyncset.done @!p0 $0x0  }
0xe7: {  	[sflag:s0] =	ssyncadd.s32 @!p0 s1  }
0xe8: {  	[bflag:$0x3] =	sbarrier.arrive $0xFFFF  }
0xe9: {  	_ =	shalt  }

// kernel: sparse-core-data-format-call.cloned.1.call-start
scs
called_computation_lowered:
.L_overlay_start_0:
0x0: {  	s2 =	sld [smem:$0x3FD9]  }
0x1: {  	s3 =	sld [smem:$0x3FFE];
	_ =	sdelay $0x1  }
0x2: {  	s1 =	srdreg.scid  }
0x3: {  	s0 =	sand.u32 $0x1, s1  }
0x4: {  	s19 =	sshll.u32 s0, $0xA;
	s2 =	sadd.s32 s3, s2  }
0x5: {  	s2 =	sadd.s32 s2, s19  }
0x6: {  	[smem:$0x3FC7] =	sst s2  }
0x7: {  	_ = 	snop  }
0x8: {  	s2 =	sld [smem:$0x3FC9]  }
0x9: {  	s20 =	sld [smem:$0x3FD0];
	(tm) =	ssettm $0x1  }
0xa: {  	s4 =	sld [smem:$0x3FFB];
	_ =	sdelay $0x3  }
0xb: {  	_ =	strace s4  }
0xc: {  	s4 =	sld [smem:$0x3FFC];
	_ =	sdelay $0x3  }
0xd: {  	_ =	strace s4  }
0xe: {  	s4 =	sld [smem:$0x3FFD];
	_ =	sdelay $0x3  }
0xf: {  	_ =	strace s4  }
0x10: {  	_ =	strace $0x8FFFFFFF  }
0x11: {  	s21 =	sld [smem:$0x3FDB];
	_ =	sdelay $0x1  }
0x12: {  	s5 =	simm.s32 $_scs_section_size  }
0x13: {  	s6 =	simm.s32 $_size__tile_overlayer_lowered;
	s7 =	simm.s32 $_tile_overlayer_lowered  }
0x14: {  	s24 =	simm.s32 $0x1BFF;
	s23 =	sshll.u32 s7, $0x1;
	s4 =	sadd.s32 s5, s21  }
0x15: {  	s8 =	simm.s32 $0x0;
	s22 =	sshll.u32 s6, $0x1;
	s6 =	sadd.s32 s23, s4  }
0x16: {  	[timem:s8], [sflag:s24] =	dma.local [hbm:s6], s22  }
0x17: {  	_ =	swait.ge [sflag:s24], s22  }
0x18: {  	s5 =	ssub.s32 $0x0, s22;
	[sflag:s24] =	ssyncset.done $0x0  }
0x19: {  	[sflag:s24] =	ssyncadd.s32 s5;
	_ =	sdelay $0x1  }
0x1a: {  	s25 =	simm.s32 $0x1B8B  }
0x1b: {  	_ =	swait.ge [sflag:s25], $0x1  }
0x1c: {  	[sflag:s25] =	ssyncset.done $0x0  }
0x1d: {  	s26 =	simm.s32 $0x1B8E;
	[sflag:s25] =	ssyncadd.s32 $0xFFFFFFFF  }
0x1e: {  	s27 =	simm.s32 $execute0_lowered;
	[smem:$0x3FD2] =	sst s26  }
0x1f: {  	s5 =	sshll.u32 s27, $0x1;
	_ =	strace $0x80000046;
	[dreg:$0x1] =	wrdreg $0xFFFFFFFF  }
0x20: {  	s28 =	simm.s32 $_size_execute0_lowered;
	s4 =	sadd.s32 s4, s5;
	[dreg:$0x0] =	wrdreg $0x0  }
0x21: {  	s5 =	sshll.u32 s28, $0x1;
	[dreg:$0x2] =	wrdreg s4  }
0x22: {  	[dreg:$0x3] =	wrdreg s5  }
0x23: {  	[dreg:$0x4] =	wrdreg $0xC0  }
0x24: {  	_ =	task [dreg:s8], $0x5FFFF  }
0x25: {  	[dreg:$0x1] =	wrdreg $0xFFFFFFFF  }
0x26: {  	[dreg:$0x0] =	wrdreg $0x60  }
0x27: {  	[dreg:$0x2] =	wrdreg s2  }
0x28: {  	[dreg:$0x3] =	wrdreg s20  }
0x29: {  	[dreg:$0x4] =	wrdreg $0x9  }
0x2a: {  	_ =	task.clear_ibuf [dreg:s8], $0x5FFFF;
	_ =	strace $0x90000046  }
0x2b: {  	s29 =	simm.s32 $0x9;
	_ =	strace $0x80000048  }
0x2c: {  	_ =	swait.ge [sflag:s29], $0x1  }
0x2d: {  	[sflag:s29] =	ssyncadd.s32 $0xFFFFFFFF  }
0x2e: {  	_ =	strace $0x90000048  }
0x2f: {  	_ =	sfence  }
0x30: {  	s30 =	sld [smem:$0x0];
	_ =	sdelay $0x2  }
0x31: {  	s31 =	sshll.u32 s1, $0xD;
	s1 =	sshrl.u32 s1, $0x2  }
0x32: {  	s3 =	sand.u32 $0x4000, s31;
	s1 =	sadd.s32 s1, s30  }
0x33: {  	s0 =	sor.u32 s3, s0;
	s1 =	sshll.u32 s1, $0x11  }
0x34: {  	s0 =	sor.u32 s1, s0  }
0x35: {  	s0 =	sadd.s32 $0x8F2B, s0  }
0x36: {  	[sflag:s0] =	ssyncadd.remote.s32 $0x1  }
0x37: {  	_ =	sfence.sel $0xFFFF  }
0x38: {  	[dreg:$0x0] =	wrdreg $0xFFFFFFFF;
	(pc) =	sbr.abs _section_cstart, $3  }
0x39: {  	[dreg:$0x1] =	wrdreg $0xFFFFFFFF  }
0x3a: {  	_ =	task.clear_ibuf [dreg:s8], $0x2FFFF;
	_ =	strace $0x9FFFFFFF  }
0x3b: {  	(tm) =	ssettm $0x7FFFFFFF  }
tec
execute0_lowered:
.L_overlay_start_1:
0x0: {  	(tag) =	ssettag $0x1  }
0x1: {  	s0 =	srdreg.scid  }
0x2: {  	s1 =	sshll.u32 s0, $0x4  }
0x3: {  	s2 =	rddreg [dreg:$0x0];
	s0 =	stileid.u32;
	s1 =	sand.u32 $0x10, s1  }
0x4: {  	s4 =	rddreg [dreg:$0x1];
	s1 =	sor.u32 s0, s1  }
0x5: {  	s7 =	simm.s32 $0x1;
	s8 =	simm.s32 $0x2;
	s3 =	sshll.u32 s1, $0x3  }
0x6: {  	s9 =	simm.s32 $0x0;
	s12 =	simm.s32 $0x0;
	s6 =	ssub.s32 $0x1000, s3  }
.Ltmp0:
0x7: {  	s11 =	simm.s32 $0x0;
	s5 =	sand.u32 $0xF8, s6;
	(pc) =	sbr.rel .LBB1_1-.Ltmp0, $4  }
0x8: {  	s1 =	rddreg [dreg:$0x2];
	_ =	strace $0x80000047;
	p0 =	sne.s32 s5, $0x0  }
0x9: {  	s6 =	sshrl.u32 s6, $0x8;
	s5 =	simm.s32 $0x1;
	s7 =	simm.s32 @!p0 $0x0  }
0xa: {  	s10 =	smov.u32 s3;
	[sflag:s5] =	ssyncpa.u1 $0x0;
	s6 =	sadd.s32 s7, s6  }
0xb: {  	[sflag:s8] =	ssyncpa.u1 $0x0;
	s8 =	simm.s32 $0x0;
	s7 =	sadd.s32 $0x1, s6  }
.LBB1_9:
0xc: {  	s14 =	sadd.s32 $0x100, s10  }
0xd: {  	p1 =	sgt.s32 s14, $0xFFF  }
0xe: {  	s14 =	smov.u32 @p1 s3;
	p1 =	sne.s32 s11, s7  }
.Ltmp1:
0xf: {  	p0 =	slt.u32 s11, $0x2;
	(pc) =	sbr.rel @!p1 .LBB1_10-.Ltmp1, $4  }
0x10: {  	s13 =	simm.s32 @!p0 $0x2  }
0x11: {  	s15 =	sadd.s32 $0x1, s11;
	_ =	swait.ge @!p0 [sflag:s13], $0x4000  }
0x12: {  	s12 =	smov.u32 s10;
	s9 =	sadd.s32 $0x4000, s9;
	[sflag:s13] =	ssyncset.done @!p0 $0x0  }
0x13: {  	s11 =	smov.u32 s15;
	s10 =	smov.u32 s14;
	[sflag:s13] =	ssyncadd.s32 @!p0 $0xFFFFC000  }
.LBB1_1:
0x14: {  	p0 =	sge.u32 s11, s6  }
0x15: {  	s13 =	sxor.u32 @!p0 $0xFFFFFFFF, s11  }
0x16: {  	s31 =	sadd.s32 $0xFFFFFFFF, s11;
	s14 =	sshll.u32 @!p0 s10, $0x8;
	s13 =	sshll.u32 @!p0 s13, $0xE  }
0x17: {  	s15 =	simm.s32 @!p0 $0x0;
	s14 =	sadd.s32 @!p0 s2, s14;
	s13 =	sand.u32 @!p0 $0x4000, s13  }
0x18: {  	[tilespmem:s13], [sflag:$0x1] =	stream.linear.gather @!p0 [hbm4b:s14+s15], $0x4000, $0x38;
	[tilespmem:$0x10000] =	vst v63  }
0x19: {  	p0 =	sge.u32 s31, s6  }
.Ltmp2:
0x1a: {  	_ = 	snop;
	(pc) =	sbr.rel @p0 .LBB1_9-.Ltmp2, $1  }
0x1b: {  	_ =	sdelay $0x3  }
0x1c: {  	s13 =	sshll.u32 s9, $0x2;
	_ =	swait.ge [sflag:s5], $0x4000;
	s14 =	sshll.u32 s11, $0xE  }
0x1d: {  	s16 =	simm.s32 $0x0;
	s17 =	simm.s32 $0x0;
	s15 =	sand.u32 $0x10000, s13  }
0x1e: {  	[sflag:s5] =	ssyncset.done $0x0;
	s31 =	sand.u32 $0x4000, s14;
	s14 =	sshrl.u32 s15, $0x2  }
0x1f: {  	[sflag:s5] =	ssyncadd.s32 $0xFFFFC000;
	s13 =	sor.u32 $0x8000, s31;
	s15 =	sor.u32 $0x8000, s14  }
.LBB1_3:
0x20: {  	s18 =	sshra.s32 s16, $0x2  }
0x21: {  	v0 =	vmov s18;
	_ =	sdelay $0x3  }
0x22: {  	p1 =	por $0x1, $0x1;
	s18 =	simm.s32 $0x0  }
.LBB1_4:
0x23: {  	_ = 	snop  }
0x24: {  	s19 =	sshll.u32 s18, $0xA  }
0x25: {  	s19 =	sand.u32 $0x3FFFFC00, s19  }
0x26: {  	s19 =	sadd.s32 s19, s14  }
0x27: {  	v5 =	vld.idx.msk [tilespmem:v0+s19+$0x70 ss:$0x1], $0xffff  }
0x28: {  	v6 =	vld.idx.msk [tilespmem:v0+s19+$0x10 ss:$0x1], $0xffff  }
0x29: {  	v7 =	vld.idx.msk [tilespmem:v0+s19+$0x20 ss:$0x1], $0xffff  }
0x2a: {  	s31 =	sshll.u32 s18, $0x7;
	v1 =	vld.idx.msk [tilespmem:v0+s19+$0x30 ss:$0x1], $0xffff  }
0x2b: {  	s18 =	sand.u32 $0x3FFFFF80, s31;
	v2 =	vld.idx.msk [tilespmem:v0+s19+$0x40 ss:$0x1], $0xffff  }
0x2c: {  	s18 =	sadd.s32 s18, s15;
	v3 =	vld.idx.msk [tilespmem:v0+s19+$0x50 ss:$0x1], $0xffff  }
0x2d: {  	v4 =	vld.idx.msk [tilespmem:v0+s19+$0x60 ss:$0x1], $0xffff;
	[tilespmem:v0+s18+$0x70 ss:$0x1] =	vst.idx.msk $0xffff, v5  }
0x2e: {  	v5 =	vld.idx.msk [tilespmem:v0+s19+$0x0 ss:$0x1], $0xffff;
	[tilespmem:v0+s18+$0x10 ss:$0x1] =	vst.idx.msk $0xffff, v6;
	s19 =	sadd.s32 $0x80, s19  }
0x2f: {  	p0 =	por p1, p1;
	s20 =	simm.s32 $0x6;
	[tilespmem:v0+s18+$0x20 ss:$0x1] =	vst.idx.msk $0xffff, v7;
	v6 =	vld.idx.msk [tilespmem:v0+s19+$0x70 ss:$0x1], $0xffff  }
.LBB1_5:
0x30: {  	p1 =	sne.s32 s20, $0x1;
	v7 =	vld.idx.msk [tilespmem:v0+s19+$0x10 ss:$0x1], $0xffff;
	[tilespmem:v0+s18+$0x30 ss:$0x1] =	vst.idx.msk $0xffff, v1  }
0x31: {  	v8 =	vld.idx.msk [tilespmem:v0+s19+$0x20 ss:$0x1], $0xffff;
	[tilespmem:v0+s18+$0x40 ss:$0x1] =	vst.idx.msk $0xffff, v2  }
0x32: {  	v1 =	vld.idx.msk [tilespmem:v0+s19+$0x30 ss:$0x1], $0xffff;
	[tilespmem:v0+s18+$0x50 ss:$0x1] =	vst.idx.msk $0xffff, v3  }
.Ltmp3:
0x33: {  	v2 =	vld.idx.msk [tilespmem:v0+s19+$0x40 ss:$0x1], $0xffff;
	[tilespmem:v0+s18+$0x60 ss:$0x1] =	vst.idx.msk $0xffff, v4;
	(pc) =	sbr.rel @p1 .LBB1_5-.Ltmp3, $4  }
0x34: {  	v3 =	vld.idx.msk [tilespmem:v0+s19+$0x50 ss:$0x1], $0xffff;
	[tilespmem:v0+s18+$0x0 ss:$0x1] =	vst.idx.msk $0xffff, v5;
	s18 =	sadd.s32 $0x100, s18  }
0x35: {  	v4 =	vld.idx.msk [tilespmem:v0+s19+$0x60 ss:$0x1], $0xffff;
	[tilespmem:v0+s18+$0x70 ss:$0x1] =	vst.idx.msk $0xffff, v6  }
0x36: {  	v5 =	vld.idx.msk [tilespmem:v0+s19+$0x0 ss:$0x1], $0xffff;
	[tilespmem:v0+s18+$0x10 ss:$0x1] =	vst.idx.msk $0xffff, v7;
	s19 =	sadd.s32 $0x80, s19  }
0x37: {  	s20 =	sadd.s32 $0xFFFFFFFF, s20;
	v6 =	vld.idx.msk [tilespmem:v0+s19+$0x70 ss:$0x1], $0xffff;
	[tilespmem:v0+s18+$0x20 ss:$0x1] =	vst.idx.msk $0xffff, v8  }
0x38: {  	_ =	sdelay $0x3  }
0x39: {  	[tilespmem:v0+s18+$0x30 ss:$0x1] =	vst.idx.msk $0xffff, v1  }
0x3a: {  	v1 =	vld.idx.msk [tilespmem:v0+s19+$0x10 ss:$0x1], $0xffff;
	[tilespmem:v0+s18+$0x40 ss:$0x1] =	vst.idx.msk $0xffff, v2  }
0x3b: {  	v2 =	vld.idx.msk [tilespmem:v0+s19+$0x20 ss:$0x1], $0xffff;
	[tilespmem:v0+s18+$0x50 ss:$0x1] =	vst.idx.msk $0xffff, v3  }
0x3c: {  	v61 =	vld.idx.msk [tilespmem:v0+s19+$0x40 ss:$0x1], $0xffff;
	[tilespmem:v0+s18+$0x60 ss:$0x1] =	vst.idx.msk $0xffff, v4  }
0x3d: {  	s31 =	sadd.s32 $0x100, s18;
	v62 =	vld.idx.msk [tilespmem:v0+s19+$0x50 ss:$0x1], $0xffff;
	[tilespmem:v0+s18+$0x0 ss:$0x1] =	vst.idx.msk $0xffff, v5  }
0x3e: {  	v63 =	vld.idx.msk [tilespmem:v0+s19+$0x60 ss:$0x1], $0xffff;
	[tilespmem:v0+s31+$0x70 ss:$0x1] =	vst.idx.msk $0xffff, v6  }
0x3f: {  	v3 =	vld.idx.msk [tilespmem:v0+s19+$0x30 ss:$0x1], $0xffff;
	[tilespmem:v0+s31+$0x10 ss:$0x1] =	vst.idx.msk $0xffff, v1  }
0x40: {  	v1 =	vld.idx.msk [tilespmem:v0+s19+$0x0 ss:$0x1], $0xffff;
	[tilespmem:v0+s31+$0x20 ss:$0x1] =	vst.idx.msk $0xffff, v2  }
.Ltmp4:
0x41: {  	[tilespmem:v0+s31+$0x40 ss:$0x1] =	vst.idx.msk $0xffff, v61;
	(pc) =	sbr.rel @p0 .LBB1_4-.Ltmp4, $4  }
0x42: {  	[tilespmem:v0+s31+$0x50 ss:$0x1] =	vst.idx.msk $0xffff, v62  }
0x43: {  	[tilespmem:v0+s31+$0x60 ss:$0x1] =	vst.idx.msk $0xffff, v63  }
0x44: {  	[tilespmem:v0+s31+$0x30 ss:$0x1] =	vst.idx.msk $0xffff, v3  }
0x45: {  	p1 =	por $0x0, $0x0;
	s18 =	simm.s32 $0x1;
	[tilespmem:v0+s31+$0x0 ss:$0x1] =	vst.idx.msk $0xffff, v1  }
0x46: {  	s17 =	sadd.s32 $0x1, s17  }
0x47: {  	p0 =	sne.s32 s17, $0x8  }
.Ltmp5:
0x48: {  	_ = 	snop;
	(pc) =	sbr.rel @p0 .LBB1_3-.Ltmp5, $2  }
0x49: {  	_ =	sdelay $0x2  }
0x4a: {  	s16 =	sadd.s32 $0x2000, s16  }
.Ltmp6:
0x4b: {  	(pc) =	sbr.rel .LBB1_9-.Ltmp6, $4  }
0x4c: {  	_ = 	snop  }
0x4d: {  	s12 =	sshll.u32 s12, $0x8  }
0x4e: {  	s12 =	sadd.s32 s4, s12  }
0x4f: {  	[hbm4b:s12+s8] =	stream.linear.scatter [tilespmem:s13], [sflag:$0x2], $0x4000, $0x38;
	[tilespmem:$0x10000] =	vst v63  }
.LBB1_10:
0x50: {  	_ =	sfence.sel $0x180000  }
0x51: {  	s2 =	simm.s32 $0x1;
	[bflag:$0x0] =	sbarrier.arrive $0xFFFF  }
0x52: {  	s31 =	simm.s32 $0x2;
	[sflag:s2] =	ssyncpa.u1 $0x1  }
0x53: {  	[sflag:s31] =	ssyncpa.u1 $0x1  }
0x54: {  	p0 =	sne.s32 s0, $0x0;
	_ =	strace $0x90000047  }
0x55: {  	s0 =	sadd.s32 @!p0 $0x100000, s1;
	[bflag:$0x2] =	sbarrier.arrive $0xFFFF  }
0x56: {  	[sflag:s0] =	ssyncadd.tile.s32 @!p0 $0x1;
	_ =	shalt  }
.Lfunc_end1:
_tile_overlayer_lowered:
.L_overlay_start_2:
0x57: {  	(tag) =	ssettag $0x2  }
0x58: {  	s0 =	rddreg [dreg:$0x0];
	s2 =	stileid.u32  }
0x59: {  	s1 =	rddreg [dreg:$0x1];
	p0 =	sne.s32 s2, $0x0  }
0x5a: {  	s3 =	rddreg [dreg:$0x2];
	[bflag:$0x3] =	sbarrier.arrive $0xFFFF;
	s2 =	simm.s32 @!p0 $0x1C01  }
0x5b: {  	[timem:s3], [sflag:s2] =	dma.local @!p0 [hbm:s0], s1  }
0x5c: {  	s0 =	simm.s32 @!p0 $0x1  }
0x5d: {  	_ =	swait.ge @!p0 [sflag:s0], s1  }
0x5e: {  	s1 =	ssub.s32 @!p0 $0x0, s1;
	[sflag:s0] =	ssyncset.done @!p0 $0x0  }
0x5f: {  	[sflag:s0] =	ssyncadd.s32 @!p0 s1  }
0x60: {  	[bflag:$0x3] =	sbarrier.arrive $0xFFFF  }
0x61: {  	_ =	shalt  }

</sc_bundles>
